<compile_context>
chip_gen: v7x
topology: tpu7x:2x2x1
jax: 0.10.2.dev20260603
libtpu: 0.0.44.dev20260713+nightly
codegen_flags: <defaults>
</compile_context>

<pallas_src>
import functools
import math

import jax
import jax.numpy as jnp
from jax import lax
from jax.experimental import pallas as pl
from jax.experimental.pallas import tpu as pltpu
from jax.experimental.pallas import tpu_sc as plsc

F = 32
N = 2048
KTOP = 16
G = 60
NUM_HEADS = 4
HEAD_DIM = 8
EPS = 1e-5
MB = 256
NEG = -1e30


def _row_select_max(sc, lane_n):
    mx = jnp.max(sc, axis=1, keepdims=True)
    is_mx = sc == mx
    idx = jnp.min(jnp.where(is_mx, lane_n, N), axis=1, keepdims=True)
    oh = lane_n == idx
    return idx, oh


def _k1a_body(srcT_ref, tgt_ref, nn_ref):
    score = jnp.dot(srcT_ref[...], tgt_ref[...])
    lane_n = jax.lax.broadcasted_iota(jnp.int32, (MB, N), 1)
    idx0, _ = _row_select_max(score, lane_n)
    nn_ref[...] = idx0


def _k1_body(srcT_ref, tgt_ref, tgtT_ref, finvT_ref,
             WqT_ref, Wk_ref, WvT_ref, WmT_ref, W1T_ref, WrT_ref,
             bq_ref, bk_ref, bv_ref, bm_ref, b1_ref, br_ref, Hm_ref,
             hpre_ref, rterm_ref):
    srcT = srcT_ref[...]
    tgt = tgt_ref[...]

    score = jnp.dot(srcT, tgt)
    sc1 = score[:, : N // 2]
    sc2 = score[:, N // 2:]
    p0 = jnp.maximum(sc1, sc2)
    l0 = jnp.minimum(sc1, sc2)

    def body(_, c):
        p, l = c
        mx = jnp.max(p, axis=1, keepdims=True)
        oh = p == mx
        return jnp.where(oh, l, p), jnp.where(oh, NEG, l)

    pf, _ = jax.lax.fori_loop(0, KTOP, body, (p0, l0))
    msk = jnp.concatenate([sc1 > pf, sc2 > pf], axis=1)

    qT = jnp.dot(srcT, WqT_ref[...]) + bq_ref[...]
    Kt = jnp.dot(Wk_ref[...], tgt) + bk_ref[...]
    VtT = jnp.dot(tgtT_ref[...], WvT_ref[...]) + bv_ref[...]
    inv_sqrt_d = 1.0 / math.sqrt(HEAD_DIM)
    qs = jnp.concatenate(
        [qT * Hm_ref[h:h + 1, :] for h in range(NUM_HEADS)], axis=0)
    s_all = jnp.dot(qs, Kt) * inv_sqrt_d
    mskt = jnp.concatenate([msk] * NUM_HEADS, axis=0)
    s_all = jnp.where(mskt, s_all, NEG)
    s_all = s_all - jnp.max(s_all, axis=1, keepdims=True)
    e_all = jnp.exp(s_all)
    recip = 1.0 / jnp.sum(e_all, axis=1, keepdims=True)
    xs = jnp.dot(e_all, VtT) * recip
    x = jnp.zeros((MB, F), jnp.float32)
    for h in range(NUM_HEADS):
        x = x + xs[h * MB:(h + 1) * MB, :] * Hm_ref[h:h + 1, :]

    attnT = jnp.dot(x, WmT_ref[...]) + bm_ref[...]
    catT = jnp.concatenate([finvT_ref[...], srcT, attnT], axis=1)
    hpre_ref[...] = jnp.dot(catT, W1T_ref[...]) + b1_ref[...]
    rterm_ref[...] = jnp.dot(catT, WrT_ref[...]) + br_ref[...]



_MPW = N // 32


def _sc_gather_body(tef_hbm, idx_hbm, out_hbm, idx_v, rows_v, sem):
    wid = lax.axis_index("s") * 2 + lax.axis_index("c")
    base = wid * _MPW
    pltpu.sync_copy(idx_hbm.at[pl.ds(base, _MPW)], idx_v)
    pltpu.async_copy(tef_hbm.at[idx_v], rows_v, sem).wait()
    pltpu.sync_copy(rows_v, out_hbm.at[pl.ds(base, _MPW)])


def _k2_body(se_ref, tg_ref, e3t_ref, eye_ref, rt_ref, seT_s, tgT_s):
    dn0 = (((0,), (0,)), ((), ()))
    eye = eye_ref[...]
    for f in range(F):
        seT_s[pl.ds(f * G, G), :] = lax.dot_general(se_ref[f], eye, dn0)
        tgT_s[pl.ds(f * G, G), :] = lax.dot_general(
            tg_ref[:, pl.ds(f * G, G)], eye, dn0)

    def body(j, acc):
        i0 = 2 * j
        a0 = jnp.zeros((G, MB), jnp.float32)
        a1 = jnp.zeros((G, MB), jnp.float32)
        for f in range(F):
            tgf = tgT_s[pl.ds(f * G, G), :]
            a0 = a0 + seT_s[pl.ds(f * G + i0, 1), :] * tgf
            a1 = a1 + seT_s[pl.ds(f * G + i0 + 1, 1), :] * tgf
        acc = acc + jnp.dot(e3t_ref[i0], a0)
        return acc + jnp.dot(e3t_ref[i0 + 1], a1)

    rt_ref[...] = jax.lax.fori_loop(0, G // 2, body,
                                    jnp.zeros((G, MB), jnp.float32))


def _k3_body(hpre_ref, rterm_ref, W2T_ref, b2_ref, feat_ref):
    h = hpre_ref[...]
    mean = jnp.mean(h, axis=0, keepdims=True)
    xc = h - mean
    var = jnp.mean(xc * xc, axis=0, keepdims=True)
    hn = xc / jnp.sqrt(var + EPS)
    relu = jnp.maximum(hn, 0.0)
    feat_ref[...] = jnp.dot(relu, W2T_ref[...]) + b2_ref[...] + rterm_ref[...]


def kernel(source, target, source_eqv, target_eqv, featinv,
           Wq, bq, Wk, bk, Wv, bv, Wm, bm, W1, b1, W2, b2, Wr, br, perms):
    f32 = jnp.float32
    src = source.reshape(F, N)
    tgt = target.reshape(F, N)
    srcT = src.T
    tgtT = tgt.T
    finvT = featinv.reshape(F, N).T
    se = source_eqv.reshape(F, N, G)
    te = target_eqv.reshape(F, N, G)

    p2 = perms.reshape(G, G)
    e3t = (p2.T[None, :, :] == jnp.arange(G, dtype=perms.dtype)[:, None, None]
           ).astype(f32)
    hm = (jnp.arange(F, dtype=jnp.int32)[None, :] % NUM_HEADS
          == jnp.arange(NUM_HEADS, dtype=jnp.int32)[:, None]).astype(f32)

    nblk = N // MB
    row = lambda b: b.reshape(1, -1)

    nn = pl.pallas_call(
        _k1a_body,
        grid=(nblk,),
        in_specs=[
            pl.BlockSpec((MB, F), lambda i: (i, 0)),
            pl.BlockSpec((F, N), lambda i: (0, 0)),
        ],
        out_specs=pl.BlockSpec((MB, 1), lambda i: (i, 0)),
        out_shape=jax.ShapeDtypeStruct((N, 1), jnp.int32),
    )(srcT, tgt)

    tef = jnp.transpose(te, (1, 0, 2)).reshape(N, F * G)
    sc_gather = functools.partial(
        pl.kernel,
        out_type=jax.ShapeDtypeStruct((N, F * G), f32),
        mesh=plsc.VectorSubcoreMesh(core_axis_name="c", subcore_axis_name="s"),
        scratch_types=[
            pltpu.VMEM((_MPW,), jnp.int32),
            pltpu.VMEM((_MPW, F * G), f32),
            pltpu.SemaphoreType.DMA,
        ],
    )(_sc_gather_body)
    tg = sc_gather(tef, nn.reshape(-1))

    hpre, rterm = pl.pallas_call(
        _k1_body,
        grid=(nblk,),
        in_specs=[
            pl.BlockSpec((MB, F), lambda i: (i, 0)),
            pl.BlockSpec((F, N), lambda i: (0, 0)),
            pl.BlockSpec((N, F), lambda i: (0, 0)),
            pl.BlockSpec((MB, F), lambda i: (i, 0)),
            pl.BlockSpec((F, F), lambda i: (0, 0)),
            pl.BlockSpec((F, F), lambda i: (0, 0)),
            pl.BlockSpec((F, F), lambda i: (0, 0)),
            pl.BlockSpec((F, F), lambda i: (0, 0)),
            pl.BlockSpec((96, 64), lambda i: (0, 0)),
            pl.BlockSpec((96, F), lambda i: (0, 0)),
            pl.BlockSpec((1, F), lambda i: (0, 0)),
            pl.BlockSpec((F, 1), lambda i: (0, 0)),
            pl.BlockSpec((1, F), lambda i: (0, 0)),
            pl.BlockSpec((1, F), lambda i: (0, 0)),
            pl.BlockSpec((1, 64), lambda i: (0, 0)),
            pl.BlockSpec((1, F), lambda i: (0, 0)),
            pl.BlockSpec((NUM_HEADS, F), lambda i: (0, 0)),
        ],
        out_specs=[
            pl.BlockSpec((MB, 64), lambda i: (i, 0)),
            pl.BlockSpec((MB, F), lambda i: (i, 0)),
        ],
        out_shape=[
            jax.ShapeDtypeStruct((N, 64), f32),
            jax.ShapeDtypeStruct((N, F), f32),
        ],
    )(srcT, tgt, tgtT, finvT,
      Wq.T, Wk, Wv.T, Wm.T, W1.T, Wr.T,
      row(bq), bk.reshape(F, 1), row(bv), row(bm), row(b1), row(br), hm)

    eye = jnp.eye(MB, dtype=f32)
    rT = pl.pallas_call(
        _k2_body,
        grid=(nblk,),
        in_specs=[
            pl.BlockSpec((F, MB, G), lambda i: (0, i, 0)),
            pl.BlockSpec((MB, F * G), lambda i: (i, 0)),
            pl.BlockSpec((G, G, G), lambda i: (0, 0, 0)),
            pl.BlockSpec((MB, MB), lambda i: (0, 0)),
        ],
        out_specs=pl.BlockSpec((G, MB), lambda i: (0, i)),
        out_shape=jax.ShapeDtypeStruct((G, N), f32),
        scratch_shapes=[
            pltpu.VMEM((F * G, MB), f32),
            pltpu.VMEM((F * G, MB), f32),
        ],
    )(se, tg, e3t, eye)

    feat = pl.pallas_call(
        _k3_body,
        in_specs=[
            pl.BlockSpec((N, 64), lambda: (0, 0)),
            pl.BlockSpec((N, F), lambda: (0, 0)),
            pl.BlockSpec((64, F), lambda: (0, 0)),
            pl.BlockSpec((1, F), lambda: (0, 0)),
        ],
        out_specs=pl.BlockSpec((N, F), lambda: (0, 0)),
        out_shape=jax.ShapeDtypeStruct((N, F), f32),
    )(hpre, rterm, W2.T, row(b2))

    feat_out = feat.T.reshape(1, F, N, 1)
    r_out = rT.reshape(1, G, N, 1)
    return (feat_out, r_out)

# --- scband reference (transcript-rebuilt; emitter-appended) ---
"""Pipeline reference for scband-cross-attention-block-33071248179245 (READ-ONLY COPY).

The authoritative reference and input builder live on the scoring server;
editing this copy changes nothing except your own understanding.
"""

import jax, jax.numpy as jnp
import numpy as np

K = 16
S2T = True
EPS = 1e-5
NUM_HEADS = 4
HEAD_DIM = 8
G = 60


def conv1x1(x, W, b):
    return jnp.einsum('oi,bihw->bohw', W, x) + b[None, :, None, None]


def instance_norm(x):
    mean = jnp.mean(x, axis=(2, 3), keepdims=True)
    var = jnp.var(x, axis=(2, 3), keepdims=True)
    return (x - mean) / jnp.sqrt(var + EPS)


def knn_feat_extract(feat, indics):
    # feat: [B, F, N, 1]; indics: [B, M, k] -> [B, F, M, k]
    f2 = jnp.transpose(feat[:, :, :, 0], (0, 2, 1))  # [B, N, F]
    B = f2.shape[0]
    bidx = jnp.arange(B)[:, None, None]
    fk = f2[bidx, indics, :]  # [B, M, k, F]
    return jnp.transpose(fk, (0, 3, 1, 2))


def setup_inputs(seed: int = 0):
    key = jax.random.key(seed)
    ks = jax.random.split(key, 20)
    B, F, N = 1, 32, 2048
    inp = {}
    inp['source'] = jax.random.normal(ks[0], (B, F, N, 1), dtype=jnp.float32)
    inp['target'] = jax.random.normal(ks[1], (B, F, N, 1), dtype=jnp.float32)
    inp['source_eqv'] = jax.random.normal(ks[2], (B, F, N, G), dtype=jnp.float32)
    inp['target_eqv'] = jax.random.normal(ks[3], (B, F, N, G), dtype=jnp.float32)
    inp['featinv'] = jax.random.normal(ks[4], (B, F, N, 1), dtype=jnp.float32)
    s32 = 1.0 / np.sqrt(32.0)
    inp['Wq'] = jax.random.normal(ks[5], (32, 32), dtype=jnp.float32) * s32
    inp['bq'] = jnp.zeros((32,), dtype=jnp.float32)
    inp['Wk'] = jax.random.normal(ks[6], (32, 32), dtype=jnp.float32) * s32
    inp['bk'] = jnp.zeros((32,), dtype=jnp.float32)
    inp['Wv'] = jax.random.normal(ks[7], (32, 32), dtype=jnp.float32) * s32
    inp['bv'] = jnp.zeros((32,), dtype=jnp.float32)
    inp['Wm'] = jax.random.normal(ks[8], (32, 32), dtype=jnp.float32) * s32
    inp['bm'] = jnp.zeros((32,), dtype=jnp.float32)
    inp['W1'] = jax.random.normal(ks[9], (64, 96), dtype=jnp.float32) * (1.0 / np.sqrt(96.0))
    inp['b1'] = jnp.zeros((64,), dtype=jnp.float32)
    inp['W2'] = jax.random.normal(ks[10], (32, 64), dtype=jnp.float32) * (1.0 / np.sqrt(64.0))
    inp['b2'] = jnp.zeros((32,), dtype=jnp.float32)
    inp['Wr'] = jax.random.normal(ks[11], (32, 96), dtype=jnp.float32) * (1.0 / np.sqrt(96.0))
    inp['br'] = jnp.zeros((32,), dtype=jnp.float32)
    # deterministic stand-in for 60_60.npy group-composition permutation table
    perms = np.random.default_rng(0).integers(0, G, size=(G * G,))
    inp['perms'] = jnp.asarray(perms, dtype=jnp.int32)
    return inp


def reference(source, target, source_eqv, target_eqv, featinv,
              Wq, bq, Wk, bk, Wv, bv, Wm, bm, W1, b1, W2, b2, Wr, br, perms):
    score = jnp.einsum('bfmo,bfno->bmn', source, target)
    order = jnp.argsort(-score, axis=2)
    knn_ind = order[:, :, :K]
    nn_ind = order[:, :, :1]
    knn_fea = knn_feat_extract(target, knn_ind)  # [B, 32, M, K]
    B, Fd, M, kn = knn_fea.shape
    q = conv1x1(source, Wq, bq).reshape(B, HEAD_DIM, NUM_HEADS, -1)  # [B,8,4,M]
    kk = conv1x1(knn_fea, Wk, bk).reshape(B, HEAD_DIM, NUM_HEADS, M, kn)
    vv = conv1x1(knn_fea, Wv, bv).reshape(B, HEAD_DIM, NUM_HEADS, M, kn)
    scores = jnp.einsum('bfhm,bfhmk->bhmk', q, kk) / (HEAD_DIM ** 0.5)
    prob = jax.nn.softmax(scores, axis=-1)
    x = jnp.einsum('bhmk,bdhmk->bdhm', prob, vv)  # [B,8,4,M]
    x = x.reshape(B, HEAD_DIM * NUM_HEADS, M, 1)
    attn_out = conv1x1(x, Wm, bm)  # [B,32,M,1]
    cat = jnp.concatenate([featinv, source, attn_out], axis=1)  # [B,96,M,1]
    h = conv1x1(cat, W1, b1)
    h = instance_norm(h)
    h = jax.nn.relu(h)
    feat_out = conv1x1(h, W2, b2) + conv1x1(cat, Wr, br)  # [B,32,M,1]
    b, f, n, g = target_eqv.shape
    te = jnp.transpose(target_eqv, (0, 1, 3, 2)).reshape(b, f * g, n, 1)
    te = knn_feat_extract(te, nn_ind)  # [B, f*g, M, 1]
    te = te.reshape(b, f, g, -1)  # [B, f, g, M]
    if S2T:
        se = source_eqv[:, :, :, perms].reshape(b, f, -1, g, g)  # [B,f,M,g,g]
        R = jnp.einsum('bfghm,bfgm->bhm', jnp.transpose(se, (0, 1, 3, 4, 2)), te)[:, :, :, None]
    else:
        te2 = te[:, :, perms, :].reshape(b, f, g, g, -1)
        R = jnp.einsum('bfghn,bfgn->bhn', te2, jnp.transpose(source_eqv, (0, 1, 3, 2)))[:, :, :, None]
    return (feat_out, R)

if __name__ == "__main__":
    import jax
    _d = setup_inputs()
    print(jax.jit(kernel)(*tuple(_d.values())))

</pallas_src>

<mosaic_0001>
#map = affine_map<(d0, d1) -> (0, 0)>
#map1 = affine_map<(d0, d1) -> (0)>
module attributes {stable_mosaic.version = 14 : i64} {
  func.func @_sc_gather_body(%arg0: i32, %arg1: i32, %arg2: memref<2048x1920xf32, #tpu.memory_space<hbm>>, %arg3: memref<2048xi32, #tpu.memory_space<hbm>>, %arg4: memref<2048x1920xf32, #tpu.memory_space<hbm>>, %arg5: memref<64xi32, #tpu.memory_space<vmem>>, %arg6: memref<64x1920xf32, #tpu.memory_space<vmem>>, %arg7: memref<!tpu.dma_semaphore, #tpu.memory_space<semaphore_mem>>) attributes {dimension_semantics = [#tpu.dimension_semantics<core_parallel>, #tpu.dimension_semantics<subcore_parallel>], iteration_bounds = array<i64: 2, 16>, scalar_prefetch = 0 : i64, scratch_operands = 3 : i64, tpu.core_type = #tpu.core_type<sc_vector_subcore>, window_params = [{transform_indices = #map}, {transform_indices = #map1}, {transform_indices = #map}]} {
    %mul3A = arith.constant 2 : i32
    %mul3A_0 = arith.muli %arg1, %mul3A : i32
    %add3A = arith.addi %mul3A_0, %arg0 : i32
    %mul3A_1 = arith.constant 64 : i32
    %mul3A_2 = arith.muli %add3A, %mul3A_1 : i32
    "tpu.region"() ({
      %run_scoped3A = tpu.sem_alloc : memref<!tpu.dma_semaphore, #tpu.memory_space<semaphore_mem>>
      %dma_start3A_7 = tpu.memref_slice %arg3[%mul3A_2] : memref<2048xi32, #tpu.memory_space<hbm>> -> memref<64xi32, #tpu.memory_space<hbm>>
      %dma_start3A_8 = tpu.memref_slice %arg3[%mul3A_2] : memref<2048xi32, #tpu.memory_space<hbm>> -> memref<64xi32, #tpu.memory_space<hbm>>
      tpu.enqueue_dma source(%dma_start3A_8 : memref<64xi32, #tpu.memory_space<hbm>>) target(%arg5 : memref<64xi32, #tpu.memory_space<vmem>>) target_semaphore(%run_scoped3A : memref<!tpu.dma_semaphore, #tpu.memory_space<semaphore_mem>>)
      %dma_wait3A_9 = tpu.memref_slice %arg3[%mul3A_2] : memref<2048xi32, #tpu.memory_space<hbm>> -> memref<64xi32, #tpu.memory_space<hbm>>
      %dma_wait3A_10 = tpu.memref_slice %arg3[%mul3A_2] : memref<2048xi32, #tpu.memory_space<hbm>> -> memref<64xi32, #tpu.memory_space<hbm>>
      tpu.wait_dma2 semaphore(%run_scoped3A : memref<!tpu.dma_semaphore, #tpu.memory_space<semaphore_mem>>) src(%dma_wait3A_10 : memref<64xi32, #tpu.memory_space<hbm>>) dst(%arg5 : memref<64xi32, #tpu.memory_space<vmem>>)
      tpu.yield
    }) : () -> ()
    %dma_start3A = arith.constant 0 : i32
    %dma_start3A_3 = arith.constant 0 : i32
    %dma_start3A_4 = tpu.memref_slice %arg2[%dma_start3A, %dma_start3A_3] : memref<2048x1920xf32, #tpu.memory_space<hbm>> -> memref<2048x1920xf32, #tpu.memory_space<hbm>>
    tpu.enqueue_indirect_dma source(%dma_start3A_4 : memref<2048x1920xf32, #tpu.memory_space<hbm>>) target(%arg6 : memref<64x1920xf32, #tpu.memory_space<vmem>>) offsets(%arg5 : memref<64xi32, #tpu.memory_space<vmem>>) semaphore(%arg7 : memref<!tpu.dma_semaphore, #tpu.memory_space<semaphore_mem>>)
    %dma_wait3A = arith.constant 0 : i32
    %dma_wait3A_5 = arith.constant 0 : i32
    %dma_wait3A_6 = tpu.memref_slice %arg2[%dma_wait3A, %dma_wait3A_5] : memref<2048x1920xf32, #tpu.memory_space<hbm>> -> memref<2048x1920xf32, #tpu.memory_space<hbm>>
    tpu.wait_indirect_dma semaphore(%arg7 : memref<!tpu.dma_semaphore, #tpu.memory_space<semaphore_mem>>) src(%dma_wait3A_6 : memref<2048x1920xf32, #tpu.memory_space<hbm>>) dst(%arg6 : memref<64x1920xf32, #tpu.memory_space<vmem>>)
    "tpu.region"() ({
      %run_scoped3A = tpu.sem_alloc : memref<!tpu.dma_semaphore, #tpu.memory_space<semaphore_mem>>
      %dma_start3A_7 = arith.constant 0 : i32
      %dma_start3A_8 = tpu.memref_slice %arg4[%mul3A_2, %dma_start3A_7] : memref<2048x1920xf32, #tpu.memory_space<hbm>> -> memref<64x1920xf32, #tpu.memory_space<hbm>>
      %dma_start3A_9 = arith.constant 0 : i32
      %dma_start3A_10 = tpu.memref_slice %arg4[%mul3A_2, %dma_start3A_9] : memref<2048x1920xf32, #tpu.memory_space<hbm>> -> memref<64x1920xf32, #tpu.memory_space<hbm>>
      tpu.enqueue_dma source(%arg6 : memref<64x1920xf32, #tpu.memory_space<vmem>>) target(%dma_start3A_10 : memref<64x1920xf32, #tpu.memory_space<hbm>>) target_semaphore(%run_scoped3A : memref<!tpu.dma_semaphore, #tpu.memory_space<semaphore_mem>>)
      %dma_wait3A_11 = arith.constant 0 : i32
      %dma_wait3A_12 = tpu.memref_slice %arg4[%mul3A_2, %dma_wait3A_11] : memref<2048x1920xf32, #tpu.memory_space<hbm>> -> memref<64x1920xf32, #tpu.memory_space<hbm>>
      %dma_wait3A_13 = arith.constant 0 : i32
      %dma_wait3A_14 = tpu.memref_slice %arg4[%mul3A_2, %dma_wait3A_13] : memref<2048x1920xf32, #tpu.memory_space<hbm>> -> memref<64x1920xf32, #tpu.memory_space<hbm>>
      tpu.wait_dma2 semaphore(%run_scoped3A : memref<!tpu.dma_semaphore, #tpu.memory_space<semaphore_mem>>) src(%arg6 : memref<64x1920xf32, #tpu.memory_space<vmem>>) dst(%dma_wait3A_14 : memref<64x1920xf32, #tpu.memory_space<hbm>>)
      tpu.yield
    }) : () -> ()
    return
  }
}

module attributes {stable_mosaic.version = 14 : i64} {
  func.func @_k1a_body(%arg0: i32, %arg1: memref<256x32xf32, #tpu.memory_space<vmem>>, %arg2: memref<32x2048xf32, #tpu.memory_space<vmem>>, %arg3: memref<256x1xi32, #tpu.memory_space<vmem>>) attributes {dimension_semantics = [#tpu.dimension_semantics<arbitrary>], iteration_bounds = array<i64: 8>, scalar_prefetch = 0 : i64, scratch_operands = 0 : i64, tpu.core_type = #tpu.core_type<tc>, window_params = [{transform_indices = @transform_0, window_bounds = array<i64: 256, 32>}, {pipeline_mode = #tpu.pipeline_mode<synchronous>, transform_indices = @transform_1, window_bounds = array<i64: 32, 2048>}, {transform_indices = @transform_2, window_bounds = array<i64: 256, 1>}]} {
    %get3A = arith.constant 0 : index
    %get3A_0 = arith.constant 0 : index
    %get3A_1 = vector.load %arg1[%get3A, %get3A_0] : memref<256x32xf32, #tpu.memory_space<vmem>>, vector<256x32xf32>
    %get3A_2 = arith.constant 0 : index
    %get3A_3 = arith.constant 0 : index
    %get3A_4 = vector.load %arg2[%get3A_2, %get3A_3] : memref<32x2048xf32, #tpu.memory_space<vmem>>, vector<32x2048xf32>
    %dot_general3A = arith.constant dense<0.000000e+00> : vector<256x2048xf32>
    %dot_general3A_5 = tpu.matmul %get3A_1, %get3A_4, %dot_general3A {dimension_numbers = #tpu.dot_dimension_numbers<[1], [0], [0], [1], [0, 0, 1, 1], [], []>, transpose_lhs_hint = false} : vector<256x32xf32>, vector<32x2048xf32>, vector<256x2048xf32> -> vector<256x2048xf32>
    %iota3A = tpu.iota {dimensions = array<i32: 1>} : vector<256x2048xi32>
    %reduce_max3A = arith.constant dense<0xFF800000> : vector<256xf32>
    %reduce_max3A_6 = vector.multi_reduction <maximumf>, %dot_general3A_5, %reduce_max3A [1] : vector<256x2048xf32> to vector<256xf32>
    %broadcast_in_dim3A = vector.shape_cast %reduce_max3A_6 : vector<256xf32> to vector<256x1xf32>
    %eq3A = vector.broadcast %broadcast_in_dim3A : vector<256x1xf32> to vector<256x2048xf32>
    %eq3A_7 = arith.cmpf oeq, %dot_general3A_5, %eq3A : vector<256x2048xf32>
    %jit3A = arith.constant 2048 : i32
    %broadcast_in_dim3A_8 = vector.broadcast %jit3A : i32 to vector<256x2048xi32>
    %select_n3A = arith.select %eq3A_7, %iota3A, %broadcast_in_dim3A_8 : vector<256x2048xi1>, vector<256x2048xi32>
    %reduce_min3A = arith.constant dense<2147483647> : vector<256xi32>
    %reduce_min3A_9 = vector.multi_reduction <minsi>, %select_n3A, %reduce_min3A [1] : vector<256x2048xi32> to vector<256xi32>
    %broadcast_in_dim3A_10 = vector.shape_cast %reduce_min3A_9 : vector<256xi32> to vector<256x1xi32>
    %swap3A = arith.constant 0 : index
    %swap3A_11 = arith.constant 0 : index
    %swap3A_12 = vector.load %arg3[%swap3A, %swap3A_11] : memref<256x1xi32, #tpu.memory_space<vmem>>, vector<256x1xi32>
    tpu.vector_store %arg3[%swap3A, %swap3A_11], %broadcast_in_dim3A_10 {strides = array<i32>} : memref<256x1xi32, #tpu.memory_space<vmem>>, vector<256x1xi32>,
    return
  }
  func.func @transform_0(%arg0: i32) -> (i32, i32) {
    %c0_i32 = arith.constant 0 : i32
    %c0_i32_0 = arith.constant 0 : i32
    return %arg0, %c0_i32 : i32, i32
  }
  func.func @transform_1(%arg0: i32) -> (i32, i32) {
    %c0_i32 = arith.constant 0 : i32
    %c0_i32_0 = arith.constant 0 : i32
    %c0_i32_1 = arith.constant 0 : i32
    return %c0_i32, %c0_i32_0 : i32, i32
  }
  func.func @transform_2(%arg0: i32) -> (i32, i32) {
    %c0_i32 = arith.constant 0 : i32
    %c0_i32_0 = arith.constant 0 : i32
    return %arg0, %c0_i32 : i32, i32
  }
}

module attributes {stable_mosaic.version = 14 : i64} {
  func.func @_k1_body(%arg0: i32, %arg1: memref<256x32xf32, #tpu.memory_space<vmem>>, %arg2: memref<32x2048xf32, #tpu.memory_space<vmem>>, %arg3: memref<2048x32xf32, #tpu.memory_space<vmem>>, %arg4: memref<256x32xf32, #tpu.memory_space<vmem>>, %arg5: memref<32x32xf32, #tpu.memory_space<vmem>>, %arg6: memref<32x32xf32, #tpu.memory_space<vmem>>, %arg7: memref<32x32xf32, #tpu.memory_space<vmem>>, %arg8: memref<32x32xf32, #tpu.memory_space<vmem>>, %arg9: memref<96x64xf32, #tpu.memory_space<vmem>>, %arg10: memref<96x32xf32, #tpu.memory_space<vmem>>, %arg11: memref<1x32xf32, #tpu.memory_space<vmem>>, %arg12: memref<32x1xf32, #tpu.memory_space<vmem>>, %arg13: memref<1x32xf32, #tpu.memory_space<vmem>>, %arg14: memref<1x32xf32, #tpu.memory_space<vmem>>, %arg15: memref<1x64xf32, #tpu.memory_space<vmem>>, %arg16: memref<1x32xf32, #tpu.memory_space<vmem>>, %arg17: memref<4x32xf32, #tpu.memory_space<vmem>>, %arg18: memref<256x64xf32, #tpu.memory_space<vmem>>, %arg19: memref<256x32xf32, #tpu.memory_space<vmem>>) attributes {dimension_semantics = [#tpu.dimension_semantics<arbitrary>], iteration_bounds = array<i64: 8>, scalar_prefetch = 0 : i64, scratch_operands = 0 : i64, tpu.core_type = #tpu.core_type<tc>, window_params = [{transform_indices = @transform_0, window_bounds = array<i64: 256, 32>}, {pipeline_mode = #tpu.pipeline_mode<synchronous>, transform_indices = @transform_1, window_bounds = array<i64: 32, 2048>}, {pipeline_mode = #tpu.pipeline_mode<synchronous>, transform_indices = @transform_2, window_bounds = array<i64: 2048, 32>}, {transform_indices = @transform_3, window_bounds = array<i64: 256, 32>}, {pipeline_mode = #tpu.pipeline_mode<synchronous>, transform_indices = @transform_4, window_bounds = array<i64: 32, 32>}, {pipeline_mode = #tpu.pipeline_mode<synchronous>, transform_indices = @transform_5, window_bounds = array<i64: 32, 32>}, {pipeline_mode = #tpu.pipeline_mode<synchronous>, transform_indices = @transform_6, window_bounds = array<i64: 32, 32>}, {pipeline_mode = #tpu.pipeline_mode<synchronous>, transform_indices = @transform_7, window_bounds = array<i64: 32, 32>}, {pipeline_mode = #tpu.pipeline_mode<synchronous>, transform_indices = @transform_8, window_bounds = array<i64: 96, 64>}, {pipeline_mode = #tpu.pipeline_mode<synchronous>, transform_indices = @transform_9, window_bounds = array<i64: 96, 32>}, {pipeline_mode = #tpu.pipeline_mode<synchronous>, transform_indices = @transform_10, window_bounds = array<i64: 1, 32>}, {pipeline_mode = #tpu.pipeline_mode<synchronous>, transform_indices = @transform_11, window_bounds = array<i64: 32, 1>}, {pipeline_mode = #tpu.pipeline_mode<synchronous>, transform_indices = @transform_12, window_bounds = array<i64: 1, 32>}, {pipeline_mode = #tpu.pipeline_mode<synchronous>, transform_indices = @transform_13, window_bounds = array<i64: 1, 32>}, {pipeline_mode = #tpu.pipeline_mode<synchronous>, transform_indices = @transform_14, window_bounds = array<i64: 1, 64>}, {pipeline_mode = #tpu.pipeline_mode<synchronous>, transform_indices = @transform_15, window_bounds = array<i64: 1, 32>}, {pipeline_mode = #tpu.pipeline_mode<synchronous>, transform_indices = @transform_16, window_bounds = array<i64: 4, 32>}, {transform_indices = @transform_17, window_bounds = array<i64: 256, 64>}, {transform_indices = @transform_18, window_bounds = array<i64: 256, 32>}]} {
    %get3A = arith.constant 0 : index
    %get3A_0 = arith.constant 0 : index
    %get3A_1 = vector.load %arg1[%get3A, %get3A_0] : memref<256x32xf32, #tpu.memory_space<vmem>>, vector<256x32xf32>
    %get3A_2 = arith.constant 0 : index
    %get3A_3 = arith.constant 0 : index
    %get3A_4 = vector.load %arg2[%get3A_2, %get3A_3] : memref<32x2048xf32, #tpu.memory_space<vmem>>, vector<32x2048xf32>
    %dot_general3A = arith.constant dense<0.000000e+00> : vector<256x2048xf32>
    %dot_general3A_5 = tpu.matmul %get3A_1, %get3A_4, %dot_general3A {dimension_numbers = #tpu.dot_dimension_numbers<[1], [0], [0], [1], [0, 0, 1, 1], [], []>, transpose_lhs_hint = false} : vector<256x32xf32>, vector<32x2048xf32>, vector<256x2048xf32> -> vector<256x2048xf32>
    %slice3A = vector.extract_strided_slice %dot_general3A_5 {offsets = [0, 0], sizes = [256, 1024], strides = [1, 1]} : vector<256x2048xf32> to vector<256x1024xf32>
    %slice3A_6 = vector.extract_strided_slice %dot_general3A_5 {offsets = [0, 1024], sizes = [256, 1024], strides = [1, 1]} : vector<256x2048xf32> to vector<256x1024xf32>
    %max3A = arith.maximumf %slice3A, %slice3A_6 : vector<256x1024xf32>
    %min3A = arith.minimumf %slice3A, %slice3A_6 : vector<256x1024xf32>
    %scan3A = arith.constant 0 : i32
    %scan3A_7 = arith.constant 16 : i32
    %scan3A_8 = arith.addi %scan3A, %scan3A_7 : i32
    %scan3A_9 = arith.constant 1 : i32
    %scan3A_10:2 = scf.for %scan3A_150 = %scan3A to %scan3A_8 step %scan3A_9 iter_args(%scan3A_151 = %max3A, %scan3A_152 = %min3A) -> (vector<256x1024xf32>, vector<256x1024xf32>)  : i32 {
      %reduce_max3A_153 = arith.constant dense<0xFF800000> : vector<256xf32>
      %reduce_max3A_154 = vector.multi_reduction <maximumf>, %scan3A_151, %reduce_max3A_153 [1] : vector<256x1024xf32> to vector<256xf32>
      %broadcast_in_dim3A_155 = vector.shape_cast %reduce_max3A_154 : vector<256xf32> to vector<256x1xf32>
      %eq3A = vector.broadcast %broadcast_in_dim3A_155 : vector<256x1xf32> to vector<256x1024xf32>
      %eq3A_156 = arith.cmpf oeq, %scan3A_151, %eq3A : vector<256x1024xf32>
      %select_n3A_157 = arith.select %eq3A_156, %scan3A_152, %scan3A_151 : vector<256x1024xi1>, vector<256x1024xf32>
      %jit3A_158 = arith.constant -1.000000e+30 : f32
      %broadcast_in_dim3A_159 = vector.broadcast %jit3A_158 : f32 to vector<256x1024xf32>
      %select_n3A_160 = arith.select %eq3A_156, %broadcast_in_dim3A_159, %scan3A_152 : vector<256x1024xi1>, vector<256x1024xf32>
      scf.yield %select_n3A_157, %select_n3A_160 : vector<256x1024xf32>, vector<256x1024xf32>
    }
    %gt3A = arith.cmpf ogt, %slice3A, %scan3A_10#0 : vector<256x1024xf32>
    %gt3A_11 = arith.cmpf ogt, %slice3A_6, %scan3A_10#0 : vector<256x1024xf32>
    %concatenate3A = tpu.concatenate %gt3A, %gt3A_11 in 1 : vector<256x1024xi1>, vector<256x1024xi1> -> vector<256x2048xi1>
    %get3A_12 = arith.constant 0 : index
    %get3A_13 = arith.constant 0 : index
    %get3A_14 = vector.load %arg5[%get3A_12, %get3A_13] : memref<32x32xf32, #tpu.memory_space<vmem>>, vector<32x32xf32>
    %dot_general3A_15 = arith.constant dense<0.000000e+00> : vector<256x32xf32>
    %dot_general3A_16 = tpu.matmul %get3A_1, %get3A_14, %dot_general3A_15 {dimension_numbers = #tpu.dot_dimension_numbers<[1], [0], [0], [1], [0, 0, 1, 1], [], []>, transpose_lhs_hint = false} : vector<256x32xf32>, vector<32x32xf32>, vector<256x32xf32> -> vector<256x32xf32>
    %get3A_17 = arith.constant 0 : index
    %get3A_18 = arith.constant 0 : index
    %get3A_19 = vector.load %arg11[%get3A_17, %get3A_18] : memref<1x32xf32, #tpu.memory_space<vmem>>, vector<1x32xf32>
    %add3A = vector.broadcast %get3A_19 : vector<1x32xf32> to vector<256x32xf32>
    %add3A_20 = arith.addf %dot_general3A_16, %add3A : vector<256x32xf32>
    %get3A_21 = arith.constant 0 : index
    %get3A_22 = arith.constant 0 : index
    %get3A_23 = vector.load %arg6[%get3A_21, %get3A_22] : memref<32x32xf32, #tpu.memory_space<vmem>>, vector<32x32xf32>
    %dot_general3A_24 = arith.constant dense<0.000000e+00> : vector<32x2048xf32>
    %dot_general3A_25 = tpu.matmul %get3A_23, %get3A_4, %dot_general3A_24 {dimension_numbers = #tpu.dot_dimension_numbers<[1], [0], [0], [1], [0, 0, 1, 1], [], []>, transpose_lhs_hint = false} : vector<32x32xf32>, vector<32x2048xf32>, vector<32x2048xf32> -> vector<32x2048xf32>
    %get3A_26 = arith.constant 0 : index
    %get3A_27 = arith.constant 0 : index
    %get3A_28 = vector.load %arg12[%get3A_26, %get3A_27] : memref<32x1xf32, #tpu.memory_space<vmem>>, vector<32x1xf32>
    %add3A_29 = vector.broadcast %get3A_28 : vector<32x1xf32> to vector<32x2048xf32>
    %add3A_30 = arith.addf %dot_general3A_25, %add3A_29 : vector<32x2048xf32>
    %get3A_31 = arith.constant 0 : index
    %get3A_32 = arith.constant 0 : index
    %get3A_33 = vector.load %arg3[%get3A_31, %get3A_32] : memref<2048x32xf32, #tpu.memory_space<vmem>>, vector<2048x32xf32>
    %get3A_34 = arith.constant 0 : index
    %get3A_35 = arith.constant 0 : index
    %get3A_36 = vector.load %arg7[%get3A_34, %get3A_35] : memref<32x32xf32, #tpu.memory_space<vmem>>, vector<32x32xf32>
    %dot_general3A_37 = arith.constant dense<0.000000e+00> : vector<2048x32xf32>
    %dot_general3A_38 = tpu.matmul %get3A_33, %get3A_36, %dot_general3A_37 {dimension_numbers = #tpu.dot_dimension_numbers<[1], [0], [0], [1], [0, 0, 1, 1], [], []>, transpose_lhs_hint = false} : vector<2048x32xf32>, vector<32x32xf32>, vector<2048x32xf32> -> vector<2048x32xf32>
    %get3A_39 = arith.constant 0 : index
    %get3A_40 = arith.constant 0 : index
    %get3A_41 = vector.load %arg13[%get3A_39, %get3A_40] : memref<1x32xf32, #tpu.memory_space<vmem>>, vector<1x32xf32>
    %add3A_42 = vector.broadcast %get3A_41 : vector<1x32xf32> to vector<2048x32xf32>
    %add3A_43 = arith.addf %dot_general3A_38, %add3A_42 : vector<2048x32xf32>
    %get3A_44 = arith.constant 0 : index
    %get3A_45 = arith.constant 0 : index
    %get3A_46 = vector.load %arg17[%get3A_44, %get3A_45] : memref<4x32xf32, #tpu.memory_space<vmem>>, vector<1x32xf32>
    %mul3A = vector.broadcast %get3A_46 : vector<1x32xf32> to vector<256x32xf32>
    %mul3A_47 = arith.mulf %add3A_20, %mul3A : vector<256x32xf32>
    %get3A_48 = arith.constant 1 : index
    %get3A_49 = arith.constant 0 : index
    %get3A_50 = vector.load %arg17[%get3A_48, %get3A_49] : memref<4x32xf32, #tpu.memory_space<vmem>>, vector<1x32xf32>
    %mul3A_51 = vector.broadcast %get3A_50 : vector<1x32xf32> to vector<256x32xf32>
    %mul3A_52 = arith.mulf %add3A_20, %mul3A_51 : vector<256x32xf32>
    %get3A_53 = arith.constant 2 : index
    %get3A_54 = arith.constant 0 : index
    %get3A_55 = vector.load %arg17[%get3A_53, %get3A_54] : memref<4x32xf32, #tpu.memory_space<vmem>>, vector<1x32xf32>
    %mul3A_56 = vector.broadcast %get3A_55 : vector<1x32xf32> to vector<256x32xf32>
    %mul3A_57 = arith.mulf %add3A_20, %mul3A_56 : vector<256x32xf32>
    %get3A_58 = arith.constant 3 : index
    %get3A_59 = arith.constant 0 : index
    %get3A_60 = vector.load %arg17[%get3A_58, %get3A_59] : memref<4x32xf32, #tpu.memory_space<vmem>>, vector<1x32xf32>
    %mul3A_61 = vector.broadcast %get3A_60 : vector<1x32xf32> to vector<256x32xf32>
    %mul3A_62 = arith.mulf %add3A_20, %mul3A_61 : vector<256x32xf32>
    %concatenate3A_63 = tpu.concatenate %mul3A_47, %mul3A_52, %mul3A_57, %mul3A_62 in 0 : vector<256x32xf32>, vector<256x32xf32>, vector<256x32xf32>, vector<256x32xf32> -> vector<1024x32xf32>
    %dot_general3A_64 = arith.constant dense<0.000000e+00> : vector<1024x2048xf32>
    %dot_general3A_65 = tpu.matmul %concatenate3A_63, %add3A_30, %dot_general3A_64 {dimension_numbers = #tpu.dot_dimension_numbers<[1], [0], [0], [1], [0, 0, 1, 1], [], []>, transpose_lhs_hint = false} : vector<1024x32xf32>, vector<32x2048xf32>, vector<1024x2048xf32> -> vector<1024x2048xf32>
    %mul3A_66 = arith.constant 0.353553385 : f32
    %mul3A_67 = vector.broadcast %mul3A_66 : f32 to vector<1024x2048xf32>
    %mul3A_68 = arith.mulf %dot_general3A_65, %mul3A_67 : vector<1024x2048xf32>
    %concatenate3A_69 = tpu.concatenate %concatenate3A, %concatenate3A, %concatenate3A, %concatenate3A in 0 : vector<256x2048xi1>, vector<256x2048xi1>, vector<256x2048xi1>, vector<256x2048xi1> -> vector<1024x2048xi1>
    %jit3A = arith.constant -1.000000e+30 : f32
    %broadcast_in_dim3A = vector.broadcast %jit3A : f32 to vector<1024x2048xf32>
    %select_n3A = arith.select %concatenate3A_69, %mul3A_68, %broadcast_in_dim3A : vector<1024x2048xi1>, vector<1024x2048xf32>
    %reduce_max3A = arith.constant dense<0xFF800000> : vector<1024xf32>
    %reduce_max3A_70 = vector.multi_reduction <maximumf>, %select_n3A, %reduce_max3A [1] : vector<1024x2048xf32> to vector<1024xf32>
    %broadcast_in_dim3A_71 = vector.shape_cast %reduce_max3A_70 : vector<1024xf32> to vector<1024x1xf32>
    %sub3A = vector.broadcast %broadcast_in_dim3A_71 : vector<1024x1xf32> to vector<1024x2048xf32>
    %sub3A_72 = arith.subf %select_n3A, %sub3A : vector<1024x2048xf32>
    %exp3A = math.exp %sub3A_72 : vector<1024x2048xf32>
    %reduce_sum3A = arith.constant dense<0.000000e+00> : vector<1024xf32>
    %reduce_sum3A_73 = vector.multi_reduction <add>, %exp3A, %reduce_sum3A [1] : vector<1024x2048xf32> to vector<1024xf32>
    %broadcast_in_dim3A_74 = vector.shape_cast %reduce_sum3A_73 : vector<1024xf32> to vector<1024x1xf32>
    %div3A = arith.constant 1.000000e+00 : f32
    %div3A_75 = vector.broadcast %div3A : f32 to vector<1024x1xf32>
    %div3A_76 = arith.divf %div3A_75, %broadcast_in_dim3A_74 : vector<1024x1xf32>
    %dot_general3A_77 = arith.constant dense<0.000000e+00> : vector<1024x32xf32>
    %dot_general3A_78 = tpu.matmul %exp3A, %add3A_43, %dot_general3A_77 {dimension_numbers = #tpu.dot_dimension_numbers<[1], [0], [0], [1], [0, 0, 1, 1], [], []>, transpose_lhs_hint = false} : vector<1024x2048xf32>, vector<2048x32xf32>, vector<1024x32xf32> -> vector<1024x32xf32>
    %mul3A_79 = vector.broadcast %div3A_76 : vector<1024x1xf32> to vector<1024x32xf32>
    %mul3A_80 = arith.mulf %dot_general3A_78, %mul3A_79 : vector<1024x32xf32>
    %broadcast_in_dim3A_81 = arith.constant 0.000000e+00 : f32
    %broadcast_in_dim3A_82 = vector.broadcast %broadcast_in_dim3A_81 : f32 to vector<256x32xf32>
    %slice3A_83 = vector.extract_strided_slice %mul3A_80 {offsets = [0, 0], sizes = [256, 32], strides = [1, 1]} : vector<1024x32xf32> to vector<256x32xf32>
    %get3A_84 = arith.constant 0 : index
    %get3A_85 = arith.constant 0 : index
    %get3A_86 = vector.load %arg17[%get3A_84, %get3A_85] : memref<4x32xf32, #tpu.memory_space<vmem>>, vector<1x32xf32>
    %mul3A_87 = vector.broadcast %get3A_86 : vector<1x32xf32> to vector<256x32xf32>
    %mul3A_88 = arith.mulf %slice3A_83, %mul3A_87 : vector<256x32xf32>
    %add3A_89 = arith.addf %broadcast_in_dim3A_82, %mul3A_88 : vector<256x32xf32>
    %slice3A_90 = vector.extract_strided_slice %mul3A_80 {offsets = [256, 0], sizes = [256, 32], strides = [1, 1]} : vector<1024x32xf32> to vector<256x32xf32>
    %get3A_91 = arith.constant 1 : index
    %get3A_92 = arith.constant 0 : index
    %get3A_93 = vector.load %arg17[%get3A_91, %get3A_92] : memref<4x32xf32, #tpu.memory_space<vmem>>, vector<1x32xf32>
    %mul3A_94 = vector.broadcast %get3A_93 : vector<1x32xf32> to vector<256x32xf32>
    %mul3A_95 = arith.mulf %slice3A_90, %mul3A_94 : vector<256x32xf32>
    %add3A_96 = arith.addf %add3A_89, %mul3A_95 : vector<256x32xf32>
    %slice3A_97 = vector.extract_strided_slice %mul3A_80 {offsets = [512, 0], sizes = [256, 32], strides = [1, 1]} : vector<1024x32xf32> to vector<256x32xf32>
    %get3A_98 = arith.constant 2 : index
    %get3A_99 = arith.constant 0 : index
    %get3A_100 = vector.load %arg17[%get3A_98, %get3A_99] : memref<4x32xf32, #tpu.memory_space<vmem>>, vector<1x32xf32>
    %mul3A_101 = vector.broadcast %get3A_100 : vector<1x32xf32> to vector<256x32xf32>
    %mul3A_102 = arith.mulf %slice3A_97, %mul3A_101 : vector<256x32xf32>
    %add3A_103 = arith.addf %add3A_96, %mul3A_102 : vector<256x32xf32>
    %slice3A_104 = vector.extract_strided_slice %mul3A_80 {offsets = [768, 0], sizes = [256, 32], strides = [1, 1]} : vector<1024x32xf32> to vector<256x32xf32>
    %get3A_105 = arith.constant 3 : index
    %get3A_106 = arith.constant 0 : index
    %get3A_107 = vector.load %arg17[%get3A_105, %get3A_106] : memref<4x32xf32, #tpu.memory_space<vmem>>, vector<1x32xf32>
    %mul3A_108 = vector.broadcast %get3A_107 : vector<1x32xf32> to vector<256x32xf32>
    %mul3A_109 = arith.mulf %slice3A_104, %mul3A_108 : vector<256x32xf32>
    %add3A_110 = arith.addf %add3A_103, %mul3A_109 : vector<256x32xf32>
    %get3A_111 = arith.constant 0 : index
    %get3A_112 = arith.constant 0 : index
    %get3A_113 = vector.load %arg8[%get3A_111, %get3A_112] : memref<32x32xf32, #tpu.memory_space<vmem>>, vector<32x32xf32>
    %dot_general3A_114 = arith.constant dense<0.000000e+00> : vector<256x32xf32>
    %dot_general3A_115 = tpu.matmul %add3A_110, %get3A_113, %dot_general3A_114 {dimension_numbers = #tpu.dot_dimension_numbers<[1], [0], [0], [1], [0, 0, 1, 1], [], []>, transpose_lhs_hint = false} : vector<256x32xf32>, vector<32x32xf32>, vector<256x32xf32> -> vector<256x32xf32>
    %get3A_116 = arith.constant 0 : index
    %get3A_117 = arith.constant 0 : index
    %get3A_118 = vector.load %arg14[%get3A_116, %get3A_117] : memref<1x32xf32, #tpu.memory_space<vmem>>, vector<1x32xf32>
    %add3A_119 = vector.broadcast %get3A_118 : vector<1x32xf32> to vector<256x32xf32>
    %add3A_120 = arith.addf %dot_general3A_115, %add3A_119 : vector<256x32xf32>
    %get3A_121 = arith.constant 0 : index
    %get3A_122 = arith.constant 0 : index
    %get3A_123 = vector.load %arg4[%get3A_121, %get3A_122] : memref<256x32xf32, #tpu.memory_space<vmem>>, vector<256x32xf32>
    %concatenate3A_124 = tpu.concatenate %get3A_123, %get3A_1, %add3A_120 in 1 : vector<256x32xf32>, vector<256x32xf32>, vector<256x32xf32> -> vector<256x96xf32>
    %get3A_125 = arith.constant 0 : index
    %get3A_126 = arith.constant 0 : index
    %get3A_127 = vector.load %arg9[%get3A_125, %get3A_126] : memref<96x64xf32, #tpu.memory_space<vmem>>, vector<96x64xf32>
    %dot_general3A_128 = arith.constant dense<0.000000e+00> : vector<256x64xf32>
    %dot_general3A_129 = tpu.matmul %concatenate3A_124, %get3A_127, %dot_general3A_128 {dimension_numbers = #tpu.dot_dimension_numbers<[1], [0], [0], [1], [0, 0, 1, 1], [], []>, transpose_lhs_hint = false} : vector<256x96xf32>, vector<96x64xf32>, vector<256x64xf32> -> vector<256x64xf32>
    %get3A_130 = arith.constant 0 : index
    %get3A_131 = arith.constant 0 : index
    %get3A_132 = vector.load %arg15[%get3A_130, %get3A_131] : memref<1x64xf32, #tpu.memory_space<vmem>>, vector<1x64xf32>
    %add3A_133 = vector.broadcast %get3A_132 : vector<1x64xf32> to vector<256x64xf32>
    %add3A_134 = arith.addf %dot_general3A_129, %add3A_133 : vector<256x64xf32>
    %swap3A = arith.constant 0 : index
    %swap3A_135 = arith.constant 0 : index
    %swap3A_136 = vector.load %arg18[%swap3A, %swap3A_135] : memref<256x64xf32, #tpu.memory_space<vmem>>, vector<256x64xf32>
    tpu.vector_store %arg18[%swap3A, %swap3A_135], %add3A_134 {strides = array<i32>} : memref<256x64xf32, #tpu.memory_space<vmem>>, vector<256x64xf32>,
    %get3A_137 = arith.constant 0 : index
    %get3A_138 = arith.constant 0 : index
    %get3A_139 = vector.load %arg10[%get3A_137, %get3A_138] : memref<96x32xf32, #tpu.memory_space<vmem>>, vector<96x32xf32>
    %dot_general3A_140 = arith.constant dense<0.000000e+00> : vector<256x32xf32>
    %dot_general3A_141 = tpu.matmul %concatenate3A_124, %get3A_139, %dot_general3A_140 {dimension_numbers = #tpu.dot_dimension_numbers<[1], [0], [0], [1], [0, 0, 1, 1], [], []>, transpose_lhs_hint = false} : vector<256x96xf32>, vector<96x32xf32>, vector<256x32xf32> -> vector<256x32xf32>
    %get3A_142 = arith.constant 0 : index
    %get3A_143 = arith.constant 0 : index
    %get3A_144 = vector.load %arg16[%get3A_142, %get3A_143] : memref<1x32xf32, #tpu.memory_space<vmem>>, vector<1x32xf32>
    %add3A_145 = vector.broadcast %get3A_144 : vector<1x32xf32> to vector<256x32xf32>
    %add3A_146 = arith.addf %dot_general3A_141, %add3A_145 : vector<256x32xf32>
    %swap3A_147 = arith.constant 0 : index
    %swap3A_148 = arith.constant 0 : index
    %swap3A_149 = vector.load %arg19[%swap3A_147, %swap3A_148] : memref<256x32xf32, #tpu.memory_space<vmem>>, vector<256x32xf32>
    tpu.vector_store %arg19[%swap3A_147, %swap3A_148], %add3A_146 {strides = array<i32>} : memref<256x32xf32, #tpu.memory_space<vmem>>, vector<256x32xf32>,
    return
  }
  func.func @transform_0(%arg0: i32) -> (i32, i32) {
    %c0_i32 = arith.constant 0 : i32
    %c0_i32_0 = arith.constant 0 : i32
    return %arg0, %c0_i32 : i32, i32
  }
  func.func @transform_1(%arg0: i32) -> (i32, i32) {
    %c0_i32 = arith.constant 0 : i32
    %c0_i32_0 = arith.constant 0 : i32
    %c0_i32_1 = arith.constant 0 : i32
    return %c0_i32, %c0_i32_0 : i32, i32
  }
  func.func @transform_2(%arg0: i32) -> (i32, i32) {
    %c0_i32 = arith.constant 0 : i32
    %c0_i32_0 = arith.constant 0 : i32
    %c0_i32_1 = arith.constant 0 : i32
    return %c0_i32, %c0_i32_0 : i32, i32
  }
  func.func @transform_3(%arg0: i32) -> (i32, i32) {
    %c0_i32 = arith.constant 0 : i32
    %c0_i32_0 = arith.constant 0 : i32
    return %arg0, %c0_i32 : i32, i32
  }
  func.func @transform_4(%arg0: i32) -> (i32, i32) {
    %c0_i32 = arith.constant 0 : i32
    %c0_i32_0 = arith.constant 0 : i32
    %c0_i32_1 = arith.constant 0 : i32
    return %c0_i32, %c0_i32_0 : i32, i32
  }
  func.func @transform_5(%arg0: i32) -> (i32, i32) {
    %c0_i32 = arith.constant 0 : i32
    %c0_i32_0 = arith.constant 0 : i32
    %c0_i32_1 = arith.constant 0 : i32
    return %c0_i32, %c0_i32_0 : i32, i32
  }
  func.func @transform_6(%arg0: i32) -> (i32, i32) {
    %c0_i32 = arith.constant 0 : i32
    %c0_i32_0 = arith.constant 0 : i32
    %c0_i32_1 = arith.constant 0 : i32
    return %c0_i32, %c0_i32_0 : i32, i32
  }
  func.func @transform_7(%arg0: i32) -> (i32, i32) {
    %c0_i32 = arith.constant 0 : i32
    %c0_i32_0 = arith.constant 0 : i32
    %c0_i32_1 = arith.constant 0 : i32
    return %c0_i32, %c0_i32_0 : i32, i32
  }
  func.func @transform_8(%arg0: i32) -> (i32, i32) {
    %c0_i32 = arith.constant 0 : i32
    %c0_i32_0 = arith.constant 0 : i32
    %c0_i32_1 = arith.constant 0 : i32
    return %c0_i32, %c0_i32_0 : i32, i32
  }
  func.func @transform_9(%arg0: i32) -> (i32, i32) {
    %c0_i32 = arith.constant 0 : i32
    %c0_i32_0 = arith.constant 0 : i32
    %c0_i32_1 = arith.constant 0 : i32
    return %c0_i32, %c0_i32_0 : i32, i32
  }
  func.func @transform_10(%arg0: i32) -> (i32, i32) {
    %c0_i32 = arith.constant 0 : i32
    %c0_i32_0 = arith.constant 0 : i32
    %c0_i32_1 = arith.constant 0 : i32
    return %c0_i32, %c0_i32_0 : i32, i32
  }
  func.func @transform_11(%arg0: i32) -> (i32, i32) {
    %c0_i32 = arith.constant 0 : i32
    %c0_i32_0 = arith.constant 0 : i32
    %c0_i32_1 = arith.constant 0 : i32
    return %c0_i32, %c0_i32_0 : i32, i32
  }
  func.func @transform_12(%arg0: i32) -> (i32, i32) {
    %c0_i32 = arith.constant 0 : i32
    %c0_i32_0 = arith.constant 0 : i32
    %c0_i32_1 = arith.constant 0 : i32
    return %c0_i32, %c0_i32_0 : i32, i32
  }
  func.func @transform_13(%arg0: i32) -> (i32, i32) {
    %c0_i32 = arith.constant 0 : i32
    %c0_i32_0 = arith.constant 0 : i32
    %c0_i32_1 = arith.constant 0 : i32
    return %c0_i32, %c0_i32_0 : i32, i32
  }
  func.func @transform_14(%arg0: i32) -> (i32, i32) {
    %c0_i32 = arith.constant 0 : i32
    %c0_i32_0 = arith.constant 0 : i32
    %c0_i32_1 = arith.constant 0 : i32
    return %c0_i32, %c0_i32_0 : i32, i32
  }
  func.func @transform_15(%arg0: i32) -> (i32, i32) {
    %c0_i32 = arith.constant 0 : i32
    %c0_i32_0 = arith.constant 0 : i32
    %c0_i32_1 = arith.constant 0 : i32
    return %c0_i32, %c0_i32_0 : i32, i32
  }
  func.func @transform_16(%arg0: i32) -> (i32, i32) {
    %c0_i32 = arith.constant 0 : i32
    %c0_i32_0 = arith.constant 0 : i32
    %c0_i32_1 = arith.constant 0 : i32
    return %c0_i32, %c0_i32_0 : i32, i32
  }
  func.func @transform_17(%arg0: i32) -> (i32, i32) {
    %c0_i32 = arith.constant 0 : i32
    %c0_i32_0 = arith.constant 0 : i32
    return %arg0, %c0_i32 : i32, i32
  }
  func.func @transform_18(%arg0: i32) -> (i32, i32) {
    %c0_i32 = arith.constant 0 : i32
    %c0_i32_0 = arith.constant 0 : i32
    return %arg0, %c0_i32 : i32, i32
  }
}

module attributes {stable_mosaic.version = 14 : i64} {
  func.func @_k3_body(%arg0: memref<2048x64xf32, #tpu.memory_space<vmem>>, %arg1: memref<2048x32xf32, #tpu.memory_space<vmem>>, %arg2: memref<64x32xf32, #tpu.memory_space<vmem>>, %arg3: memref<1x32xf32, #tpu.memory_space<vmem>>, %arg4: memref<2048x32xf32, #tpu.memory_space<vmem>>) attributes {dimension_semantics = [], scalar_prefetch = 0 : i64, scratch_operands = 0 : i64, tpu.core_type = #tpu.core_type<tc>} {
    %get3A = arith.constant 0 : index
    %get3A_0 = arith.constant 0 : index
    %get3A_1 = vector.load %arg0[%get3A, %get3A_0] : memref<2048x64xf32, #tpu.memory_space<vmem>>, vector<2048x64xf32>
    %reduce_sum3A = arith.constant dense<0.000000e+00> : vector<64xf32>
    %reduce_sum3A_2 = vector.multi_reduction <add>, %get3A_1, %reduce_sum3A [0] : vector<2048x64xf32> to vector<64xf32>
    %broadcast_in_dim3A = vector.shape_cast %reduce_sum3A_2 : vector<64xf32> to vector<1x64xf32>
    %div3A = arith.constant 2.048000e+03 : f32
    %div3A_3 = vector.broadcast %div3A : f32 to vector<1x64xf32>
    %div3A_4 = arith.divf %broadcast_in_dim3A, %div3A_3 : vector<1x64xf32>
    %sub3A = vector.broadcast %div3A_4 : vector<1x64xf32> to vector<2048x64xf32>
    %sub3A_5 = arith.subf %get3A_1, %sub3A : vector<2048x64xf32>
    %mul3A = arith.mulf %sub3A_5, %sub3A_5 : vector<2048x64xf32>
    %reduce_sum3A_6 = arith.constant dense<0.000000e+00> : vector<64xf32>
    %reduce_sum3A_7 = vector.multi_reduction <add>, %mul3A, %reduce_sum3A_6 [0] : vector<2048x64xf32> to vector<64xf32>
    %broadcast_in_dim3A_8 = vector.shape_cast %reduce_sum3A_7 : vector<64xf32> to vector<1x64xf32>
    %div3A_9 = arith.constant 2.048000e+03 : f32
    %div3A_10 = vector.broadcast %div3A_9 : f32 to vector<1x64xf32>
    %div3A_11 = arith.divf %broadcast_in_dim3A_8, %div3A_10 : vector<1x64xf32>
    %add3A = arith.constant 9.99999974E-6 : f32
    %add3A_12 = vector.broadcast %add3A : f32 to vector<1x64xf32>
    %add3A_13 = arith.addf %div3A_11, %add3A_12 : vector<1x64xf32>
    %sqrt3A = math.sqrt %add3A_13 : vector<1x64xf32>
    %div3A_14 = vector.broadcast %sqrt3A : vector<1x64xf32> to vector<2048x64xf32>
    %div3A_15 = arith.divf %sub3A_5, %div3A_14 : vector<2048x64xf32>
    %max3A = arith.constant 0.000000e+00 : f32
    %max3A_16 = vector.broadcast %max3A : f32 to vector<2048x64xf32>
    %max3A_17 = arith.maximumf %div3A_15, %max3A_16 : vector<2048x64xf32>
    %get3A_18 = arith.constant 0 : index
    %get3A_19 = arith.constant 0 : index
    %get3A_20 = vector.load %arg2[%get3A_18, %get3A_19] : memref<64x32xf32, #tpu.memory_space<vmem>>, vector<64x32xf32>
    %dot_general3A = arith.constant dense<0.000000e+00> : vector<2048x32xf32>
    %dot_general3A_21 = tpu.matmul %max3A_17, %get3A_20, %dot_general3A {dimension_numbers = #tpu.dot_dimension_numbers<[1], [0], [0], [1], [0, 0, 1, 1], [], []>, transpose_lhs_hint = false} : vector<2048x64xf32>, vector<64x32xf32>, vector<2048x32xf32> -> vector<2048x32xf32>
    %get3A_22 = arith.constant 0 : index
    %get3A_23 = arith.constant 0 : index
    %get3A_24 = vector.load %arg3[%get3A_22, %get3A_23] : memref<1x32xf32, #tpu.memory_space<vmem>>, vector<1x32xf32>
    %add3A_25 = vector.broadcast %get3A_24 : vector<1x32xf32> to vector<2048x32xf32>
    %add3A_26 = arith.addf %dot_general3A_21, %add3A_25 : vector<2048x32xf32>
    %get3A_27 = arith.constant 0 : index
    %get3A_28 = arith.constant 0 : index
    %get3A_29 = vector.load %arg1[%get3A_27, %get3A_28] : memref<2048x32xf32, #tpu.memory_space<vmem>>, vector<2048x32xf32>
    %add3A_30 = arith.addf %add3A_26, %get3A_29 : vector<2048x32xf32>
    %swap3A = arith.constant 0 : index
    %swap3A_31 = arith.constant 0 : index
    %swap3A_32 = vector.load %arg4[%swap3A, %swap3A_31] : memref<2048x32xf32, #tpu.memory_space<vmem>>, vector<2048x32xf32>
    tpu.vector_store %arg4[%swap3A, %swap3A_31], %add3A_30 {strides = array<i32>} : memref<2048x32xf32, #tpu.memory_space<vmem>>, vector<2048x32xf32>,
    return
  }
}

module attributes {stable_mosaic.version = 14 : i64} {
  func.func @_k2_body(%arg0: i32, %arg1: memref<32x256x60xf32, #tpu.memory_space<vmem>>, %arg2: memref<256x1920xf32, #tpu.memory_space<vmem>>, %arg3: memref<60x60x60xf32, #tpu.memory_space<vmem>>, %arg4: memref<256x256xf32, #tpu.memory_space<vmem>>, %arg5: memref<60x256xf32, #tpu.memory_space<vmem>>, %arg6: memref<1920x256xf32, #tpu.memory_space<vmem>>, %arg7: memref<1920x256xf32, #tpu.memory_space<vmem>>) attributes {dimension_semantics = [#tpu.dimension_semantics<arbitrary>], iteration_bounds = array<i64: 8>, scalar_prefetch = 0 : i64, scratch_operands = 2 : i64, tpu.core_type = #tpu.core_type<tc>, window_params = [{transform_indices = @transform_0, window_bounds = array<i64: 32, 256, 60>}, {transform_indices = @transform_1, window_bounds = array<i64: 256, 1920>}, {pipeline_mode = #tpu.pipeline_mode<synchronous>, transform_indices = @transform_2, window_bounds = array<i64: 60, 60, 60>}, {pipeline_mode = #tpu.pipeline_mode<synchronous>, transform_indices = @transform_3, window_bounds = array<i64: 256, 256>}, {transform_indices = @transform_4, window_bounds = array<i64: 60, 256>}]} {
    %get3A = arith.constant 0 : index
    %get3A_0 = arith.constant 0 : index
    %get3A_1 = vector.load %arg4[%get3A, %get3A_0] : memref<256x256xf32, #tpu.memory_space<vmem>>, vector<256x256xf32>
    %get3A_2 = arith.constant 0 : index
    %get3A_3 = arith.constant 0 : index
    %get3A_4 = arith.constant 0 : index
    %get3A_5 = vector.load %arg1[%get3A_2, %get3A_3, %get3A_4] : memref<32x256x60xf32, #tpu.memory_space<vmem>>, vector<1x256x60xf32>
    %get3A_6 = vector.shape_cast %get3A_5 : vector<1x256x60xf32> to vector<256x60xf32>
    %dot_general3A = arith.constant dense<0.000000e+00> : vector<60x256xf32>
    %dot_general3A_7 = tpu.matmul %get3A_6, %get3A_1, %dot_general3A {dimension_numbers = #tpu.dot_dimension_numbers<[0], [0], [1], [1], [0, 1, 1, 1], [], []>, transpose_lhs_hint = false} : vector<256x60xf32>, vector<256x256xf32>, vector<60x256xf32> -> vector<60x256xf32>
    %swap3A = arith.constant 0 : index
    %swap3A_8 = arith.constant 0 : index
    %swap3A_9 = vector.load %arg6[%swap3A, %swap3A_8] : memref<1920x256xf32, #tpu.memory_space<vmem>>, vector<60x256xf32>
    tpu.vector_store %arg6[%swap3A, %swap3A_8], %dot_general3A_7 {strides = array<i32>} : memref<1920x256xf32, #tpu.memory_space<vmem>>, vector<60x256xf32>,
    %get3A_10 = arith.constant 0 : index
    %get3A_11 = arith.constant 0 : index
    %get3A_12 = vector.load %arg2[%get3A_10, %get3A_11] : memref<256x1920xf32, #tpu.memory_space<vmem>>, vector<256x60xf32>
    %dot_general3A_13 = arith.constant dense<0.000000e+00> : vector<60x256xf32>
    %dot_general3A_14 = tpu.matmul %get3A_12, %get3A_1, %dot_general3A_13 {dimension_numbers = #tpu.dot_dimension_numbers<[0], [0], [1], [1], [0, 1, 1, 1], [], []>, transpose_lhs_hint = false} : vector<256x60xf32>, vector<256x256xf32>, vector<60x256xf32> -> vector<60x256xf32>
    %swap3A_15 = arith.constant 0 : index
    %swap3A_16 = arith.constant 0 : index
    %swap3A_17 = vector.load %arg7[%swap3A_15, %swap3A_16] : memref<1920x256xf32, #tpu.memory_space<vmem>>, vector<60x256xf32>
    tpu.vector_store %arg7[%swap3A_15, %swap3A_16], %dot_general3A_14 {strides = array<i32>} : memref<1920x256xf32, #tpu.memory_space<vmem>>, vector<60x256xf32>,
    %get3A_18 = arith.constant 1 : index
    %get3A_19 = arith.constant 0 : index
    %get3A_20 = arith.constant 0 : index
    %get3A_21 = vector.load %arg1[%get3A_18, %get3A_19, %get3A_20] : memref<32x256x60xf32, #tpu.memory_space<vmem>>, vector<1x256x60xf32>
    %get3A_22 = vector.shape_cast %get3A_21 : vector<1x256x60xf32> to vector<256x60xf32>
    %dot_general3A_23 = arith.constant dense<0.000000e+00> : vector<60x256xf32>
    %dot_general3A_24 = tpu.matmul %get3A_22, %get3A_1, %dot_general3A_23 {dimension_numbers = #tpu.dot_dimension_numbers<[0], [0], [1], [1], [0, 1, 1, 1], [], []>, transpose_lhs_hint = false} : vector<256x60xf32>, vector<256x256xf32>, vector<60x256xf32> -> vector<60x256xf32>
    %swap3A_25 = arith.constant 60 : index
    %swap3A_26 = arith.constant 0 : index
    %swap3A_27 = vector.load %arg6[%swap3A_25, %swap3A_26] : memref<1920x256xf32, #tpu.memory_space<vmem>>, vector<60x256xf32>
    tpu.vector_store %arg6[%swap3A_25, %swap3A_26], %dot_general3A_24 {strides = array<i32>} : memref<1920x256xf32, #tpu.memory_space<vmem>>, vector<60x256xf32>,
    %get3A_28 = arith.constant 0 : index
    %get3A_29 = arith.constant 60 : index
    %get3A_30 = vector.load %arg2[%get3A_28, %get3A_29] : memref<256x1920xf32, #tpu.memory_space<vmem>>, vector<256x60xf32>
    %dot_general3A_31 = arith.constant dense<0.000000e+00> : vector<60x256xf32>
    %dot_general3A_32 = tpu.matmul %get3A_30, %get3A_1, %dot_general3A_31 {dimension_numbers = #tpu.dot_dimension_numbers<[0], [0], [1], [1], [0, 1, 1, 1], [], []>, transpose_lhs_hint = false} : vector<256x60xf32>, vector<256x256xf32>, vector<60x256xf32> -> vector<60x256xf32>
    %swap3A_33 = arith.constant 60 : index
    %swap3A_34 = arith.constant 0 : index
    %swap3A_35 = vector.load %arg7[%swap3A_33, %swap3A_34] : memref<1920x256xf32, #tpu.memory_space<vmem>>, vector<60x256xf32>
    tpu.vector_store %arg7[%swap3A_33, %swap3A_34], %dot_general3A_32 {strides = array<i32>} : memref<1920x256xf32, #tpu.memory_space<vmem>>, vector<60x256xf32>,
    %get3A_36 = arith.constant 2 : index
    %get3A_37 = arith.constant 0 : index
    %get3A_38 = arith.constant 0 : index
    %get3A_39 = vector.load %arg1[%get3A_36, %get3A_37, %get3A_38] : memref<32x256x60xf32, #tpu.memory_space<vmem>>, vector<1x256x60xf32>
    %get3A_40 = vector.shape_cast %get3A_39 : vector<1x256x60xf32> to vector<256x60xf32>
    %dot_general3A_41 = arith.constant dense<0.000000e+00> : vector<60x256xf32>
    %dot_general3A_42 = tpu.matmul %get3A_40, %get3A_1, %dot_general3A_41 {dimension_numbers = #tpu.dot_dimension_numbers<[0], [0], [1], [1], [0, 1, 1, 1], [], []>, transpose_lhs_hint = false} : vector<256x60xf32>, vector<256x256xf32>, vector<60x256xf32> -> vector<60x256xf32>
    %swap3A_43 = arith.constant 120 : index
    %swap3A_44 = arith.constant 0 : index
    %swap3A_45 = vector.load %arg6[%swap3A_43, %swap3A_44] : memref<1920x256xf32, #tpu.memory_space<vmem>>, vector<60x256xf32>
    tpu.vector_store %arg6[%swap3A_43, %swap3A_44], %dot_general3A_42 {strides = array<i32>} : memref<1920x256xf32, #tpu.memory_space<vmem>>, vector<60x256xf32>,
    %get3A_46 = arith.constant 0 : index
    %get3A_47 = arith.constant 120 : index
    %get3A_48 = vector.load %arg2[%get3A_46, %get3A_47] : memref<256x1920xf32, #tpu.memory_space<vmem>>, vector<256x60xf32>
    %dot_general3A_49 = arith.constant dense<0.000000e+00> : vector<60x256xf32>
    %dot_general3A_50 = tpu.matmul %get3A_48, %get3A_1, %dot_general3A_49 {dimension_numbers = #tpu.dot_dimension_numbers<[0], [0], [1], [1], [0, 1, 1, 1], [], []>, transpose_lhs_hint = false} : vector<256x60xf32>, vector<256x256xf32>, vector<60x256xf32> -> vector<60x256xf32>
    %swap3A_51 = arith.constant 120 : index
    %swap3A_52 = arith.constant 0 : index
    %swap3A_53 = vector.load %arg7[%swap3A_51, %swap3A_52] : memref<1920x256xf32, #tpu.memory_space<vmem>>, vector<60x256xf32>
    tpu.vector_store %arg7[%swap3A_51, %swap3A_52], %dot_general3A_50 {strides = array<i32>} : memref<1920x256xf32, #tpu.memory_space<vmem>>, vector<60x256xf32>,
    %get3A_54 = arith.constant 3 : index
    %get3A_55 = arith.constant 0 : index
    %get3A_56 = arith.constant 0 : index
    %get3A_57 = vector.load %arg1[%get3A_54, %get3A_55, %get3A_56] : memref<32x256x60xf32, #tpu.memory_space<vmem>>, vector<1x256x60xf32>
    %get3A_58 = vector.shape_cast %get3A_57 : vector<1x256x60xf32> to vector<256x60xf32>
    %dot_general3A_59 = arith.constant dense<0.000000e+00> : vector<60x256xf32>
    %dot_general3A_60 = tpu.matmul %get3A_58, %get3A_1, %dot_general3A_59 {dimension_numbers = #tpu.dot_dimension_numbers<[0], [0], [1], [1], [0, 1, 1, 1], [], []>, transpose_lhs_hint = false} : vector<256x60xf32>, vector<256x256xf32>, vector<60x256xf32> -> vector<60x256xf32>
    %swap3A_61 = arith.constant 180 : index
    %swap3A_62 = arith.constant 0 : index
    %swap3A_63 = vector.load %arg6[%swap3A_61, %swap3A_62] : memref<1920x256xf32, #tpu.memory_space<vmem>>, vector<60x256xf32>
    tpu.vector_store %arg6[%swap3A_61, %swap3A_62], %dot_general3A_60 {strides = array<i32>} : memref<1920x256xf32, #tpu.memory_space<vmem>>, vector<60x256xf32>,
    %get3A_64 = arith.constant 0 : index
    %get3A_65 = arith.constant 180 : index
    %get3A_66 = vector.load %arg2[%get3A_64, %get3A_65] : memref<256x1920xf32, #tpu.memory_space<vmem>>, vector<256x60xf32>
    %dot_general3A_67 = arith.constant dense<0.000000e+00> : vector<60x256xf32>
    %dot_general3A_68 = tpu.matmul %get3A_66, %get3A_1, %dot_general3A_67 {dimension_numbers = #tpu.dot_dimension_numbers<[0], [0], [1], [1], [0, 1, 1, 1], [], []>, transpose_lhs_hint = false} : vector<256x60xf32>, vector<256x256xf32>, vector<60x256xf32> -> vector<60x256xf32>
    %swap3A_69 = arith.constant 180 : index
    %swap3A_70 = arith.constant 0 : index
    %swap3A_71 = vector.load %arg7[%swap3A_69, %swap3A_70] : memref<1920x256xf32, #tpu.memory_space<vmem>>, vector<60x256xf32>
    tpu.vector_store %arg7[%swap3A_69, %swap3A_70], %dot_general3A_68 {strides = array<i32>} : memref<1920x256xf32, #tpu.memory_space<vmem>>, vector<60x256xf32>,
    %get3A_72 = arith.constant 4 : index
    %get3A_73 = arith.constant 0 : index
    %get3A_74 = arith.constant 0 : index
    %get3A_75 = vector.load %arg1[%get3A_72, %get3A_73, %get3A_74] : memref<32x256x60xf32, #tpu.memory_space<vmem>>, vector<1x256x60xf32>
    %get3A_76 = vector.shape_cast %get3A_75 : vector<1x256x60xf32> to vector<256x60xf32>
    %dot_general3A_77 = arith.constant dense<0.000000e+00> : vector<60x256xf32>
    %dot_general3A_78 = tpu.matmul %get3A_76, %get3A_1, %dot_general3A_77 {dimension_numbers = #tpu.dot_dimension_numbers<[0], [0], [1], [1], [0, 1, 1, 1], [], []>, transpose_lhs_hint = false} : vector<256x60xf32>, vector<256x256xf32>, vector<60x256xf32> -> vector<60x256xf32>
    %swap3A_79 = arith.constant 240 : index
    %swap3A_80 = arith.constant 0 : index
    %swap3A_81 = vector.load %arg6[%swap3A_79, %swap3A_80] : memref<1920x256xf32, #tpu.memory_space<vmem>>, vector<60x256xf32>
    tpu.vector_store %arg6[%swap3A_79, %swap3A_80], %dot_general3A_78 {strides = array<i32>} : memref<1920x256xf32, #tpu.memory_space<vmem>>, vector<60x256xf32>,
    %get3A_82 = arith.constant 0 : index
    %get3A_83 = arith.constant 240 : index
    %get3A_84 = vector.load %arg2[%get3A_82, %get3A_83] : memref<256x1920xf32, #tpu.memory_space<vmem>>, vector<256x60xf32>
    %dot_general3A_85 = arith.constant dense<0.000000e+00> : vector<60x256xf32>
    %dot_general3A_86 = tpu.matmul %get3A_84, %get3A_1, %dot_general3A_85 {dimension_numbers = #tpu.dot_dimension_numbers<[0], [0], [1], [1], [0, 1, 1, 1], [], []>, transpose_lhs_hint = false} : vector<256x60xf32>, vector<256x256xf32>, vector<60x256xf32> -> vector<60x256xf32>
    %swap3A_87 = arith.constant 240 : index
    %swap3A_88 = arith.constant 0 : index
    %swap3A_89 = vector.load %arg7[%swap3A_87, %swap3A_88] : memref<1920x256xf32, #tpu.memory_space<vmem>>, vector<60x256xf32>
    tpu.vector_store %arg7[%swap3A_87, %swap3A_88], %dot_general3A_86 {strides = array<i32>} : memref<1920x256xf32, #tpu.memory_space<vmem>>, vector<60x256xf32>,
    %get3A_90 = arith.constant 5 : index
    %get3A_91 = arith.constant 0 : index
    %get3A_92 = arith.constant 0 : index
    %get3A_93 = vector.load %arg1[%get3A_90, %get3A_91, %get3A_92] : memref<32x256x60xf32, #tpu.memory_space<vmem>>, vector<1x256x60xf32>
    %get3A_94 = vector.shape_cast %get3A_93 : vector<1x256x60xf32> to vector<256x60xf32>
    %dot_general3A_95 = arith.constant dense<0.000000e+00> : vector<60x256xf32>
    %dot_general3A_96 = tpu.matmul %get3A_94, %get3A_1, %dot_general3A_95 {dimension_numbers = #tpu.dot_dimension_numbers<[0], [0], [1], [1], [0, 1, 1, 1], [], []>, transpose_lhs_hint = false} : vector<256x60xf32>, vector<256x256xf32>, vector<60x256xf32> -> vector<60x256xf32>
    %swap3A_97 = arith.constant 300 : index
    %swap3A_98 = arith.constant 0 : index
    %swap3A_99 = vector.load %arg6[%swap3A_97, %swap3A_98] : memref<1920x256xf32, #tpu.memory_space<vmem>>, vector<60x256xf32>
    tpu.vector_store %arg6[%swap3A_97, %swap3A_98], %dot_general3A_96 {strides = array<i32>} : memref<1920x256xf32, #tpu.memory_space<vmem>>, vector<60x256xf32>,
    %get3A_100 = arith.constant 0 : index
    %get3A_101 = arith.constant 300 : index
    %get3A_102 = vector.load %arg2[%get3A_100, %get3A_101] : memref<256x1920xf32, #tpu.memory_space<vmem>>, vector<256x60xf32>
    %dot_general3A_103 = arith.constant dense<0.000000e+00> : vector<60x256xf32>
    %dot_general3A_104 = tpu.matmul %get3A_102, %get3A_1, %dot_general3A_103 {dimension_numbers = #tpu.dot_dimension_numbers<[0], [0], [1], [1], [0, 1, 1, 1], [], []>, transpose_lhs_hint = false} : vector<256x60xf32>, vector<256x256xf32>, vector<60x256xf32> -> vector<60x256xf32>
    %swap3A_105 = arith.constant 300 : index
    %swap3A_106 = arith.constant 0 : index
    %swap3A_107 = vector.load %arg7[%swap3A_105, %swap3A_106] : memref<1920x256xf32, #tpu.memory_space<vmem>>, vector<60x256xf32>
    tpu.vector_store %arg7[%swap3A_105, %swap3A_106], %dot_general3A_104 {strides = array<i32>} : memref<1920x256xf32, #tpu.memory_space<vmem>>, vector<60x256xf32>,
    %get3A_108 = arith.constant 6 : index
    %get3A_109 = arith.constant 0 : index
    %get3A_110 = arith.constant 0 : index
    %get3A_111 = vector.load %arg1[%get3A_108, %get3A_109, %get3A_110] : memref<32x256x60xf32, #tpu.memory_space<vmem>>, vector<1x256x60xf32>
    %get3A_112 = vector.shape_cast %get3A_111 : vector<1x256x60xf32> to vector<256x60xf32>
    %dot_general3A_113 = arith.constant dense<0.000000e+00> : vector<60x256xf32>
    %dot_general3A_114 = tpu.matmul %get3A_112, %get3A_1, %dot_general3A_113 {dimension_numbers = #tpu.dot_dimension_numbers<[0], [0], [1], [1], [0, 1, 1, 1], [], []>, transpose_lhs_hint = false} : vector<256x60xf32>, vector<256x256xf32>, vector<60x256xf32> -> vector<60x256xf32>
    %swap3A_115 = arith.constant 360 : index
    %swap3A_116 = arith.constant 0 : index
    %swap3A_117 = vector.load %arg6[%swap3A_115, %swap3A_116] : memref<1920x256xf32, #tpu.memory_space<vmem>>, vector<60x256xf32>
    tpu.vector_store %arg6[%swap3A_115, %swap3A_116], %dot_general3A_114 {strides = array<i32>} : memref<1920x256xf32, #tpu.memory_space<vmem>>, vector<60x256xf32>,
    %get3A_118 = arith.constant 0 : index
    %get3A_119 = arith.constant 360 : index
    %get3A_120 = vector.load %arg2[%get3A_118, %get3A_119] : memref<256x1920xf32, #tpu.memory_space<vmem>>, vector<256x60xf32>
    %dot_general3A_121 = arith.constant dense<0.000000e+00> : vector<60x256xf32>
    %dot_general3A_122 = tpu.matmul %get3A_120, %get3A_1, %dot_general3A_121 {dimension_numbers = #tpu.dot_dimension_numbers<[0], [0], [1], [1], [0, 1, 1, 1], [], []>, transpose_lhs_hint = false} : vector<256x60xf32>, vector<256x256xf32>, vector<60x256xf32> -> vector<60x256xf32>
    %swap3A_123 = arith.constant 360 : index
    %swap3A_124 = arith.constant 0 : index
    %swap3A_125 = vector.load %arg7[%swap3A_123, %swap3A_124] : memref<1920x256xf32, #tpu.memory_space<vmem>>, vector<60x256xf32>
    tpu.vector_store %arg7[%swap3A_123, %swap3A_124], %dot_general3A_122 {strides = array<i32>} : memref<1920x256xf32, #tpu.memory_space<vmem>>, vector<60x256xf32>,
    %get3A_126 = arith.constant 7 : index
    %get3A_127 = arith.constant 0 : index
    %get3A_128 = arith.constant 0 : index
    %get3A_129 = vector.load %arg1[%get3A_126, %get3A_127, %get3A_128] : memref<32x256x60xf32, #tpu.memory_space<vmem>>, vector<1x256x60xf32>
    %get3A_130 = vector.shape_cast %get3A_129 : vector<1x256x60xf32> to vector<256x60xf32>
    %dot_general3A_131 = arith.constant dense<0.000000e+00> : vector<60x256xf32>
    %dot_general3A_132 = tpu.matmul %get3A_130, %get3A_1, %dot_general3A_131 {dimension_numbers = #tpu.dot_dimension_numbers<[0], [0], [1], [1], [0, 1, 1, 1], [], []>, transpose_lhs_hint = false} : vector<256x60xf32>, vector<256x256xf32>, vector<60x256xf32> -> vector<60x256xf32>
    %swap3A_133 = arith.constant 420 : index
    %swap3A_134 = arith.constant 0 : index
    %swap3A_135 = vector.load %arg6[%swap3A_133, %swap3A_134] : memref<1920x256xf32, #tpu.memory_space<vmem>>, vector<60x256xf32>
    tpu.vector_store %arg6[%swap3A_133, %swap3A_134], %dot_general3A_132 {strides = array<i32>} : memref<1920x256xf32, #tpu.memory_space<vmem>>, vector<60x256xf32>,
    %get3A_136 = arith.constant 0 : index
    %get3A_137 = arith.constant 420 : index
    %get3A_138 = vector.load %arg2[%get3A_136, %get3A_137] : memref<256x1920xf32, #tpu.memory_space<vmem>>, vector<256x60xf32>
    %dot_general3A_139 = arith.constant dense<0.000000e+00> : vector<60x256xf32>
    %dot_general3A_140 = tpu.matmul %get3A_138, %get3A_1, %dot_general3A_139 {dimension_numbers = #tpu.dot_dimension_numbers<[0], [0], [1], [1], [0, 1, 1, 1], [], []>, transpose_lhs_hint = false} : vector<256x60xf32>, vector<256x256xf32>, vector<60x256xf32> -> vector<60x256xf32>
    %swap3A_141 = arith.constant 420 : index
    %swap3A_142 = arith.constant 0 : index
    %swap3A_143 = vector.load %arg7[%swap3A_141, %swap3A_142] : memref<1920x256xf32, #tpu.memory_space<vmem>>, vector<60x256xf32>
    tpu.vector_store %arg7[%swap3A_141, %swap3A_142], %dot_general3A_140 {strides = array<i32>} : memref<1920x256xf32, #tpu.memory_space<vmem>>, vector<60x256xf32>,
    %get3A_144 = arith.constant 8 : index
    %get3A_145 = arith.constant 0 : index
    %get3A_146 = arith.constant 0 : index
    %get3A_147 = vector.load %arg1[%get3A_144, %get3A_145, %get3A_146] : memref<32x256x60xf32, #tpu.memory_space<vmem>>, vector<1x256x60xf32>
    %get3A_148 = vector.shape_cast %get3A_147 : vector<1x256x60xf32> to vector<256x60xf32>
    %dot_general3A_149 = arith.constant dense<0.000000e+00> : vector<60x256xf32>
    %dot_general3A_150 = tpu.matmul %get3A_148, %get3A_1, %dot_general3A_149 {dimension_numbers = #tpu.dot_dimension_numbers<[0], [0], [1], [1], [0, 1, 1, 1], [], []>, transpose_lhs_hint = false} : vector<256x60xf32>, vector<256x256xf32>, vector<60x256xf32> -> vector<60x256xf32>
    %swap3A_151 = arith.constant 480 : index
    %swap3A_152 = arith.constant 0 : index
    %swap3A_153 = vector.load %arg6[%swap3A_151, %swap3A_152] : memref<1920x256xf32, #tpu.memory_space<vmem>>, vector<60x256xf32>
    tpu.vector_store %arg6[%swap3A_151, %swap3A_152], %dot_general3A_150 {strides = array<i32>} : memref<1920x256xf32, #tpu.memory_space<vmem>>, vector<60x256xf32>,
    %get3A_154 = arith.constant 0 : index
    %get3A_155 = arith.constant 480 : index
    %get3A_156 = vector.load %arg2[%get3A_154, %get3A_155] : memref<256x1920xf32, #tpu.memory_space<vmem>>, vector<256x60xf32>
    %dot_general3A_157 = arith.constant dense<0.000000e+00> : vector<60x256xf32>
    %dot_general3A_158 = tpu.matmul %get3A_156, %get3A_1, %dot_general3A_157 {dimension_numbers = #tpu.dot_dimension_numbers<[0], [0], [1], [1], [0, 1, 1, 1], [], []>, transpose_lhs_hint = false} : vector<256x60xf32>, vector<256x256xf32>, vector<60x256xf32> -> vector<60x256xf32>
    %swap3A_159 = arith.constant 480 : index
    %swap3A_160 = arith.constant 0 : index
    %swap3A_161 = vector.load %arg7[%swap3A_159, %swap3A_160] : memref<1920x256xf32, #tpu.memory_space<vmem>>, vector<60x256xf32>
    tpu.vector_store %arg7[%swap3A_159, %swap3A_160], %dot_general3A_158 {strides = array<i32>} : memref<1920x256xf32, #tpu.memory_space<vmem>>, vector<60x256xf32>,
    %get3A_162 = arith.constant 9 : index
    %get3A_163 = arith.constant 0 : index
    %get3A_164 = arith.constant 0 : index
    %get3A_165 = vector.load %arg1[%get3A_162, %get3A_163, %get3A_164] : memref<32x256x60xf32, #tpu.memory_space<vmem>>, vector<1x256x60xf32>
    %get3A_166 = vector.shape_cast %get3A_165 : vector<1x256x60xf32> to vector<256x60xf32>
    %dot_general3A_167 = arith.constant dense<0.000000e+00> : vector<60x256xf32>
    %dot_general3A_168 = tpu.matmul %get3A_166, %get3A_1, %dot_general3A_167 {dimension_numbers = #tpu.dot_dimension_numbers<[0], [0], [1], [1], [0, 1, 1, 1], [], []>, transpose_lhs_hint = false} : vector<256x60xf32>, vector<256x256xf32>, vector<60x256xf32> -> vector<60x256xf32>
    %swap3A_169 = arith.constant 540 : index
    %swap3A_170 = arith.constant 0 : index
    %swap3A_171 = vector.load %arg6[%swap3A_169, %swap3A_170] : memref<1920x256xf32, #tpu.memory_space<vmem>>, vector<60x256xf32>
    tpu.vector_store %arg6[%swap3A_169, %swap3A_170], %dot_general3A_168 {strides = array<i32>} : memref<1920x256xf32, #tpu.memory_space<vmem>>, vector<60x256xf32>,
    %get3A_172 = arith.constant 0 : index
    %get3A_173 = arith.constant 540 : index
    %get3A_174 = vector.load %arg2[%get3A_172, %get3A_173] : memref<256x1920xf32, #tpu.memory_space<vmem>>, vector<256x60xf32>
    %dot_general3A_175 = arith.constant dense<0.000000e+00> : vector<60x256xf32>
    %dot_general3A_176 = tpu.matmul %get3A_174, %get3A_1, %dot_general3A_175 {dimension_numbers = #tpu.dot_dimension_numbers<[0], [0], [1], [1], [0, 1, 1, 1], [], []>, transpose_lhs_hint = false} : vector<256x60xf32>, vector<256x256xf32>, vector<60x256xf32> -> vector<60x256xf32>
    %swap3A_177 = arith.constant 540 : index
    %swap3A_178 = arith.constant 0 : index
    %swap3A_179 = vector.load %arg7[%swap3A_177, %swap3A_178] : memref<1920x256xf32, #tpu.memory_space<vmem>>, vector<60x256xf32>
    tpu.vector_store %arg7[%swap3A_177, %swap3A_178], %dot_general3A_176 {strides = array<i32>} : memref<1920x256xf32, #tpu.memory_space<vmem>>, vector<60x256xf32>,
    %get3A_180 = arith.constant 10 : index
    %get3A_181 = arith.constant 0 : index
    %get3A_182 = arith.constant 0 : index
    %get3A_183 = vector.load %arg1[%get3A_180, %get3A_181, %get3A_182] : memref<32x256x60xf32, #tpu.memory_space<vmem>>, vector<1x256x60xf32>
    %get3A_184 = vector.shape_cast %get3A_183 : vector<1x256x60xf32> to vector<256x60xf32>
    %dot_general3A_185 = arith.constant dense<0.000000e+00> : vector<60x256xf32>
    %dot_general3A_186 = tpu.matmul %get3A_184, %get3A_1, %dot_general3A_185 {dimension_numbers = #tpu.dot_dimension_numbers<[0], [0], [1], [1], [0, 1, 1, 1], [], []>, transpose_lhs_hint = false} : vector<256x60xf32>, vector<256x256xf32>, vector<60x256xf32> -> vector<60x256xf32>
    %swap3A_187 = arith.constant 600 : index
    %swap3A_188 = arith.constant 0 : index
    %swap3A_189 = vector.load %arg6[%swap3A_187, %swap3A_188] : memref<1920x256xf32, #tpu.memory_space<vmem>>, vector<60x256xf32>
    tpu.vector_store %arg6[%swap3A_187, %swap3A_188], %dot_general3A_186 {strides = array<i32>} : memref<1920x256xf32, #tpu.memory_space<vmem>>, vector<60x256xf32>,
    %get3A_190 = arith.constant 0 : index
    %get3A_191 = arith.constant 600 : index
    %get3A_192 = vector.load %arg2[%get3A_190, %get3A_191] : memref<256x1920xf32, #tpu.memory_space<vmem>>, vector<256x60xf32>
    %dot_general3A_193 = arith.constant dense<0.000000e+00> : vector<60x256xf32>
    %dot_general3A_194 = tpu.matmul %get3A_192, %get3A_1, %dot_general3A_193 {dimension_numbers = #tpu.dot_dimension_numbers<[0], [0], [1], [1], [0, 1, 1, 1], [], []>, transpose_lhs_hint = false} : vector<256x60xf32>, vector<256x256xf32>, vector<60x256xf32> -> vector<60x256xf32>
    %swap3A_195 = arith.constant 600 : index
    %swap3A_196 = arith.constant 0 : index
    %swap3A_197 = vector.load %arg7[%swap3A_195, %swap3A_196] : memref<1920x256xf32, #tpu.memory_space<vmem>>, vector<60x256xf32>
    tpu.vector_store %arg7[%swap3A_195, %swap3A_196], %dot_general3A_194 {strides = array<i32>} : memref<1920x256xf32, #tpu.memory_space<vmem>>, vector<60x256xf32>,
    %get3A_198 = arith.constant 11 : index
    %get3A_199 = arith.constant 0 : index
    %get3A_200 = arith.constant 0 : index
    %get3A_201 = vector.load %arg1[%get3A_198, %get3A_199, %get3A_200] : memref<32x256x60xf32, #tpu.memory_space<vmem>>, vector<1x256x60xf32>
    %get3A_202 = vector.shape_cast %get3A_201 : vector<1x256x60xf32> to vector<256x60xf32>
    %dot_general3A_203 = arith.constant dense<0.000000e+00> : vector<60x256xf32>
    %dot_general3A_204 = tpu.matmul %get3A_202, %get3A_1, %dot_general3A_203 {dimension_numbers = #tpu.dot_dimension_numbers<[0], [0], [1], [1], [0, 1, 1, 1], [], []>, transpose_lhs_hint = false} : vector<256x60xf32>, vector<256x256xf32>, vector<60x256xf32> -> vector<60x256xf32>
    %swap3A_205 = arith.constant 660 : index
    %swap3A_206 = arith.constant 0 : index
    %swap3A_207 = vector.load %arg6[%swap3A_205, %swap3A_206] : memref<1920x256xf32, #tpu.memory_space<vmem>>, vector<60x256xf32>
    tpu.vector_store %arg6[%swap3A_205, %swap3A_206], %dot_general3A_204 {strides = array<i32>} : memref<1920x256xf32, #tpu.memory_space<vmem>>, vector<60x256xf32>,
    %get3A_208 = arith.constant 0 : index
    %get3A_209 = arith.constant 660 : index
    %get3A_210 = vector.load %arg2[%get3A_208, %get3A_209] : memref<256x1920xf32, #tpu.memory_space<vmem>>, vector<256x60xf32>
    %dot_general3A_211 = arith.constant dense<0.000000e+00> : vector<60x256xf32>
    %dot_general3A_212 = tpu.matmul %get3A_210, %get3A_1, %dot_general3A_211 {dimension_numbers = #tpu.dot_dimension_numbers<[0], [0], [1], [1], [0, 1, 1, 1], [], []>, transpose_lhs_hint = false} : vector<256x60xf32>, vector<256x256xf32>, vector<60x256xf32> -> vector<60x256xf32>
    %swap3A_213 = arith.constant 660 : index
    %swap3A_214 = arith.constant 0 : index
    %swap3A_215 = vector.load %arg7[%swap3A_213, %swap3A_214] : memref<1920x256xf32, #tpu.memory_space<vmem>>, vector<60x256xf32>
    tpu.vector_store %arg7[%swap3A_213, %swap3A_214], %dot_general3A_212 {strides = array<i32>} : memref<1920x256xf32, #tpu.memory_space<vmem>>, vector<60x256xf32>,
    %get3A_216 = arith.constant 12 : index
    %get3A_217 = arith.constant 0 : index
    %get3A_218 = arith.constant 0 : index
    %get3A_219 = vector.load %arg1[%get3A_216, %get3A_217, %get3A_218] : memref<32x256x60xf32, #tpu.memory_space<vmem>>, vector<1x256x60xf32>
    %get3A_220 = vector.shape_cast %get3A_219 : vector<1x256x60xf32> to vector<256x60xf32>
    %dot_general3A_221 = arith.constant dense<0.000000e+00> : vector<60x256xf32>
    %dot_general3A_222 = tpu.matmul %get3A_220, %get3A_1, %dot_general3A_221 {dimension_numbers = #tpu.dot_dimension_numbers<[0], [0], [1], [1], [0, 1, 1, 1], [], []>, transpose_lhs_hint = false} : vector<256x60xf32>, vector<256x256xf32>, vector<60x256xf32> -> vector<60x256xf32>
    %swap3A_223 = arith.constant 720 : index
    %swap3A_224 = arith.constant 0 : index
    %swap3A_225 = vector.load %arg6[%swap3A_223, %swap3A_224] : memref<1920x256xf32, #tpu.memory_space<vmem>>, vector<60x256xf32>
    tpu.vector_store %arg6[%swap3A_223, %swap3A_224], %dot_general3A_222 {strides = array<i32>} : memref<1920x256xf32, #tpu.memory_space<vmem>>, vector<60x256xf32>,
    %get3A_226 = arith.constant 0 : index
    %get3A_227 = arith.constant 720 : index
    %get3A_228 = vector.load %arg2[%get3A_226, %get3A_227] : memref<256x1920xf32, #tpu.memory_space<vmem>>, vector<256x60xf32>
    %dot_general3A_229 = arith.constant dense<0.000000e+00> : vector<60x256xf32>
    %dot_general3A_230 = tpu.matmul %get3A_228, %get3A_1, %dot_general3A_229 {dimension_numbers = #tpu.dot_dimension_numbers<[0], [0], [1], [1], [0, 1, 1, 1], [], []>, transpose_lhs_hint = false} : vector<256x60xf32>, vector<256x256xf32>, vector<60x256xf32> -> vector<60x256xf32>
    %swap3A_231 = arith.constant 720 : index
    %swap3A_232 = arith.constant 0 : index
    %swap3A_233 = vector.load %arg7[%swap3A_231, %swap3A_232] : memref<1920x256xf32, #tpu.memory_space<vmem>>, vector<60x256xf32>
    tpu.vector_store %arg7[%swap3A_231, %swap3A_232], %dot_general3A_230 {strides = array<i32>} : memref<1920x256xf32, #tpu.memory_space<vmem>>, vector<60x256xf32>,
    %get3A_234 = arith.constant 13 : index
    %get3A_235 = arith.constant 0 : index
    %get3A_236 = arith.constant 0 : index
    %get3A_237 = vector.load %arg1[%get3A_234, %get3A_235, %get3A_236] : memref<32x256x60xf32, #tpu.memory_space<vmem>>, vector<1x256x60xf32>
    %get3A_238 = vector.shape_cast %get3A_237 : vector<1x256x60xf32> to vector<256x60xf32>
    %dot_general3A_239 = arith.constant dense<0.000000e+00> : vector<60x256xf32>
    %dot_general3A_240 = tpu.matmul %get3A_238, %get3A_1, %dot_general3A_239 {dimension_numbers = #tpu.dot_dimension_numbers<[0], [0], [1], [1], [0, 1, 1, 1], [], []>, transpose_lhs_hint = false} : vector<256x60xf32>, vector<256x256xf32>, vector<60x256xf32> -> vector<60x256xf32>
    %swap3A_241 = arith.constant 780 : index
    %swap3A_242 = arith.constant 0 : index
    %swap3A_243 = vector.load %arg6[%swap3A_241, %swap3A_242] : memref<1920x256xf32, #tpu.memory_space<vmem>>, vector<60x256xf32>
    tpu.vector_store %arg6[%swap3A_241, %swap3A_242], %dot_general3A_240 {strides = array<i32>} : memref<1920x256xf32, #tpu.memory_space<vmem>>, vector<60x256xf32>,
    %get3A_244 = arith.constant 0 : index
    %get3A_245 = arith.constant 780 : index
    %get3A_246 = vector.load %arg2[%get3A_244, %get3A_245] : memref<256x1920xf32, #tpu.memory_space<vmem>>, vector<256x60xf32>
    %dot_general3A_247 = arith.constant dense<0.000000e+00> : vector<60x256xf32>
    %dot_general3A_248 = tpu.matmul %get3A_246, %get3A_1, %dot_general3A_247 {dimension_numbers = #tpu.dot_dimension_numbers<[0], [0], [1], [1], [0, 1, 1, 1], [], []>, transpose_lhs_hint = false} : vector<256x60xf32>, vector<256x256xf32>, vector<60x256xf32> -> vector<60x256xf32>
    %swap3A_249 = arith.constant 780 : index
    %swap3A_250 = arith.constant 0 : index
    %swap3A_251 = vector.load %arg7[%swap3A_249, %swap3A_250] : memref<1920x256xf32, #tpu.memory_space<vmem>>, vector<60x256xf32>
    tpu.vector_store %arg7[%swap3A_249, %swap3A_250], %dot_general3A_248 {strides = array<i32>} : memref<1920x256xf32, #tpu.memory_space<vmem>>, vector<60x256xf32>,
    %get3A_252 = arith.constant 14 : index
    %get3A_253 = arith.constant 0 : index
    %get3A_254 = arith.constant 0 : index
    %get3A_255 = vector.load %arg1[%get3A_252, %get3A_253, %get3A_254] : memref<32x256x60xf32, #tpu.memory_space<vmem>>, vector<1x256x60xf32>
    %get3A_256 = vector.shape_cast %get3A_255 : vector<1x256x60xf32> to vector<256x60xf32>
    %dot_general3A_257 = arith.constant dense<0.000000e+00> : vector<60x256xf32>
    %dot_general3A_258 = tpu.matmul %get3A_256, %get3A_1, %dot_general3A_257 {dimension_numbers = #tpu.dot_dimension_numbers<[0], [0], [1], [1], [0, 1, 1, 1], [], []>, transpose_lhs_hint = false} : vector<256x60xf32>, vector<256x256xf32>, vector<60x256xf32> -> vector<60x256xf32>
    %swap3A_259 = arith.constant 840 : index
    %swap3A_260 = arith.constant 0 : index
    %swap3A_261 = vector.load %arg6[%swap3A_259, %swap3A_260] : memref<1920x256xf32, #tpu.memory_space<vmem>>, vector<60x256xf32>
    tpu.vector_store %arg6[%swap3A_259, %swap3A_260], %dot_general3A_258 {strides = array<i32>} : memref<1920x256xf32, #tpu.memory_space<vmem>>, vector<60x256xf32>,
    %get3A_262 = arith.constant 0 : index
    %get3A_263 = arith.constant 840 : index
    %get3A_264 = vector.load %arg2[%get3A_262, %get3A_263] : memref<256x1920xf32, #tpu.memory_space<vmem>>, vector<256x60xf32>
    %dot_general3A_265 = arith.constant dense<0.000000e+00> : vector<60x256xf32>
    %dot_general3A_266 = tpu.matmul %get3A_264, %get3A_1, %dot_general3A_265 {dimension_numbers = #tpu.dot_dimension_numbers<[0], [0], [1], [1], [0, 1, 1, 1], [], []>, transpose_lhs_hint = false} : vector<256x60xf32>, vector<256x256xf32>, vector<60x256xf32> -> vector<60x256xf32>
    %swap3A_267 = arith.constant 840 : index
    %swap3A_268 = arith.constant 0 : index
    %swap3A_269 = vector.load %arg7[%swap3A_267, %swap3A_268] : memref<1920x256xf32, #tpu.memory_space<vmem>>, vector<60x256xf32>
    tpu.vector_store %arg7[%swap3A_267, %swap3A_268], %dot_general3A_266 {strides = array<i32>} : memref<1920x256xf32, #tpu.memory_space<vmem>>, vector<60x256xf32>,
    %get3A_270 = arith.constant 15 : index
    %get3A_271 = arith.constant 0 : index
    %get3A_272 = arith.constant 0 : index
    %get3A_273 = vector.load %arg1[%get3A_270, %get3A_271, %get3A_272] : memref<32x256x60xf32, #tpu.memory_space<vmem>>, vector<1x256x60xf32>
    %get3A_274 = vector.shape_cast %get3A_273 : vector<1x256x60xf32> to vector<256x60xf32>
    %dot_general3A_275 = arith.constant dense<0.000000e+00> : vector<60x256xf32>
    %dot_general3A_276 = tpu.matmul %get3A_274, %get3A_1, %dot_general3A_275 {dimension_numbers = #tpu.dot_dimension_numbers<[0], [0], [1], [1], [0, 1, 1, 1], [], []>, transpose_lhs_hint = false} : vector<256x60xf32>, vector<256x256xf32>, vector<60x256xf32> -> vector<60x256xf32>
    %swap3A_277 = arith.constant 900 : index
    %swap3A_278 = arith.constant 0 : index
    %swap3A_279 = vector.load %arg6[%swap3A_277, %swap3A_278] : memref<1920x256xf32, #tpu.memory_space<vmem>>, vector<60x256xf32>
    tpu.vector_store %arg6[%swap3A_277, %swap3A_278], %dot_general3A_276 {strides = array<i32>} : memref<1920x256xf32, #tpu.memory_space<vmem>>, vector<60x256xf32>,
    %get3A_280 = arith.constant 0 : index
    %get3A_281 = arith.constant 900 : index
    %get3A_282 = vector.load %arg2[%get3A_280, %get3A_281] : memref<256x1920xf32, #tpu.memory_space<vmem>>, vector<256x60xf32>
    %dot_general3A_283 = arith.constant dense<0.000000e+00> : vector<60x256xf32>
    %dot_general3A_284 = tpu.matmul %get3A_282, %get3A_1, %dot_general3A_283 {dimension_numbers = #tpu.dot_dimension_numbers<[0], [0], [1], [1], [0, 1, 1, 1], [], []>, transpose_lhs_hint = false} : vector<256x60xf32>, vector<256x256xf32>, vector<60x256xf32> -> vector<60x256xf32>
    %swap3A_285 = arith.constant 900 : index
    %swap3A_286 = arith.constant 0 : index
    %swap3A_287 = vector.load %arg7[%swap3A_285, %swap3A_286] : memref<1920x256xf32, #tpu.memory_space<vmem>>, vector<60x256xf32>
    tpu.vector_store %arg7[%swap3A_285, %swap3A_286], %dot_general3A_284 {strides = array<i32>} : memref<1920x256xf32, #tpu.memory_space<vmem>>, vector<60x256xf32>,
    %get3A_288 = arith.constant 16 : index
    %get3A_289 = arith.constant 0 : index
    %get3A_290 = arith.constant 0 : index
    %get3A_291 = vector.load %arg1[%get3A_288, %get3A_289, %get3A_290] : memref<32x256x60xf32, #tpu.memory_space<vmem>>, vector<1x256x60xf32>
    %get3A_292 = vector.shape_cast %get3A_291 : vector<1x256x60xf32> to vector<256x60xf32>
    %dot_general3A_293 = arith.constant dense<0.000000e+00> : vector<60x256xf32>
    %dot_general3A_294 = tpu.matmul %get3A_292, %get3A_1, %dot_general3A_293 {dimension_numbers = #tpu.dot_dimension_numbers<[0], [0], [1], [1], [0, 1, 1, 1], [], []>, transpose_lhs_hint = false} : vector<256x60xf32>, vector<256x256xf32>, vector<60x256xf32> -> vector<60x256xf32>
    %swap3A_295 = arith.constant 960 : index
    %swap3A_296 = arith.constant 0 : index
    %swap3A_297 = vector.load %arg6[%swap3A_295, %swap3A_296] : memref<1920x256xf32, #tpu.memory_space<vmem>>, vector<60x256xf32>
    tpu.vector_store %arg6[%swap3A_295, %swap3A_296], %dot_general3A_294 {strides = array<i32>} : memref<1920x256xf32, #tpu.memory_space<vmem>>, vector<60x256xf32>,
    %get3A_298 = arith.constant 0 : index
    %get3A_299 = arith.constant 960 : index
    %get3A_300 = vector.load %arg2[%get3A_298, %get3A_299] : memref<256x1920xf32, #tpu.memory_space<vmem>>, vector<256x60xf32>
    %dot_general3A_301 = arith.constant dense<0.000000e+00> : vector<60x256xf32>
    %dot_general3A_302 = tpu.matmul %get3A_300, %get3A_1, %dot_general3A_301 {dimension_numbers = #tpu.dot_dimension_numbers<[0], [0], [1], [1], [0, 1, 1, 1], [], []>, transpose_lhs_hint = false} : vector<256x60xf32>, vector<256x256xf32>, vector<60x256xf32> -> vector<60x256xf32>
    %swap3A_303 = arith.constant 960 : index
    %swap3A_304 = arith.constant 0 : index
    %swap3A_305 = vector.load %arg7[%swap3A_303, %swap3A_304] : memref<1920x256xf32, #tpu.memory_space<vmem>>, vector<60x256xf32>
    tpu.vector_store %arg7[%swap3A_303, %swap3A_304], %dot_general3A_302 {strides = array<i32>} : memref<1920x256xf32, #tpu.memory_space<vmem>>, vector<60x256xf32>,
    %get3A_306 = arith.constant 17 : index
    %get3A_307 = arith.constant 0 : index
    %get3A_308 = arith.constant 0 : index
    %get3A_309 = vector.load %arg1[%get3A_306, %get3A_307, %get3A_308] : memref<32x256x60xf32, #tpu.memory_space<vmem>>, vector<1x256x60xf32>
    %get3A_310 = vector.shape_cast %get3A_309 : vector<1x256x60xf32> to vector<256x60xf32>
    %dot_general3A_311 = arith.constant dense<0.000000e+00> : vector<60x256xf32>
    %dot_general3A_312 = tpu.matmul %get3A_310, %get3A_1, %dot_general3A_311 {dimension_numbers = #tpu.dot_dimension_numbers<[0], [0], [1], [1], [0, 1, 1, 1], [], []>, transpose_lhs_hint = false} : vector<256x60xf32>, vector<256x256xf32>, vector<60x256xf32> -> vector<60x256xf32>
    %swap3A_313 = arith.constant 1020 : index
    %swap3A_314 = arith.constant 0 : index
    %swap3A_315 = vector.load %arg6[%swap3A_313, %swap3A_314] : memref<1920x256xf32, #tpu.memory_space<vmem>>, vector<60x256xf32>
    tpu.vector_store %arg6[%swap3A_313, %swap3A_314], %dot_general3A_312 {strides = array<i32>} : memref<1920x256xf32, #tpu.memory_space<vmem>>, vector<60x256xf32>,
    %get3A_316 = arith.constant 0 : index
    %get3A_317 = arith.constant 1020 : index
    %get3A_318 = vector.load %arg2[%get3A_316, %get3A_317] : memref<256x1920xf32, #tpu.memory_space<vmem>>, vector<256x60xf32>
    %dot_general3A_319 = arith.constant dense<0.000000e+00> : vector<60x256xf32>
    %dot_general3A_320 = tpu.matmul %get3A_318, %get3A_1, %dot_general3A_319 {dimension_numbers = #tpu.dot_dimension_numbers<[0], [0], [1], [1], [0, 1, 1, 1], [], []>, transpose_lhs_hint = false} : vector<256x60xf32>, vector<256x256xf32>, vector<60x256xf32> -> vector<60x256xf32>
    %swap3A_321 = arith.constant 1020 : index
    %swap3A_322 = arith.constant 0 : index
    %swap3A_323 = vector.load %arg7[%swap3A_321, %swap3A_322] : memref<1920x256xf32, #tpu.memory_space<vmem>>, vector<60x256xf32>
    tpu.vector_store %arg7[%swap3A_321, %swap3A_322], %dot_general3A_320 {strides = array<i32>} : memref<1920x256xf32, #tpu.memory_space<vmem>>, vector<60x256xf32>,
    %get3A_324 = arith.constant 18 : index
    %get3A_325 = arith.constant 0 : index
    %get3A_326 = arith.constant 0 : index
    %get3A_327 = vector.load %arg1[%get3A_324, %get3A_325, %get3A_326] : memref<32x256x60xf32, #tpu.memory_space<vmem>>, vector<1x256x60xf32>
    %get3A_328 = vector.shape_cast %get3A_327 : vector<1x256x60xf32> to vector<256x60xf32>
    %dot_general3A_329 = arith.constant dense<0.000000e+00> : vector<60x256xf32>
    %dot_general3A_330 = tpu.matmul %get3A_328, %get3A_1, %dot_general3A_329 {dimension_numbers = #tpu.dot_dimension_numbers<[0], [0], [1], [1], [0, 1, 1, 1], [], []>, transpose_lhs_hint = false} : vector<256x60xf32>, vector<256x256xf32>, vector<60x256xf32> -> vector<60x256xf32>
    %swap3A_331 = arith.constant 1080 : index
    %swap3A_332 = arith.constant 0 : index
    %swap3A_333 = vector.load %arg6[%swap3A_331, %swap3A_332] : memref<1920x256xf32, #tpu.memory_space<vmem>>, vector<60x256xf32>
    tpu.vector_store %arg6[%swap3A_331, %swap3A_332], %dot_general3A_330 {strides = array<i32>} : memref<1920x256xf32, #tpu.memory_space<vmem>>, vector<60x256xf32>,
    %get3A_334 = arith.constant 0 : index
    %get3A_335 = arith.constant 1080 : index
    %get3A_336 = vector.load %arg2[%get3A_334, %get3A_335] : memref<256x1920xf32, #tpu.memory_space<vmem>>, vector<256x60xf32>
    %dot_general3A_337 = arith.constant dense<0.000000e+00> : vector<60x256xf32>
    %dot_general3A_338 = tpu.matmul %get3A_336, %get3A_1, %dot_general3A_337 {dimension_numbers = #tpu.dot_dimension_numbers<[0], [0], [1], [1], [0, 1, 1, 1], [], []>, transpose_lhs_hint = false} : vector<256x60xf32>, vector<256x256xf32>, vector<60x256xf32> -> vector<60x256xf32>
    %swap3A_339 = arith.constant 1080 : index
    %swap3A_340 = arith.constant 0 : index
    %swap3A_341 = vector.load %arg7[%swap3A_339, %swap3A_340] : memref<1920x256xf32, #tpu.memory_space<vmem>>, vector<60x256xf32>
    tpu.vector_store %arg7[%swap3A_339, %swap3A_340], %dot_general3A_338 {strides = array<i32>} : memref<1920x256xf32, #tpu.memory_space<vmem>>, vector<60x256xf32>,
    %get3A_342 = arith.constant 19 : index
    %get3A_343 = arith.constant 0 : index
    %get3A_344 = arith.constant 0 : index
    %get3A_345 = vector.load %arg1[%get3A_342, %get3A_343, %get3A_344] : memref<32x256x60xf32, #tpu.memory_space<vmem>>, vector<1x256x60xf32>
    %get3A_346 = vector.shape_cast %get3A_345 : vector<1x256x60xf32> to vector<256x60xf32>
    %dot_general3A_347 = arith.constant dense<0.000000e+00> : vector<60x256xf32>
    %dot_general3A_348 = tpu.matmul %get3A_346, %get3A_1, %dot_general3A_347 {dimension_numbers = #tpu.dot_dimension_numbers<[0], [0], [1], [1], [0, 1, 1, 1], [], []>, transpose_lhs_hint = false} : vector<256x60xf32>, vector<256x256xf32>, vector<60x256xf32> -> vector<60x256xf32>
    %swap3A_349 = arith.constant 1140 : index
    %swap3A_350 = arith.constant 0 : index
    %swap3A_351 = vector.load %arg6[%swap3A_349, %swap3A_350] : memref<1920x256xf32, #tpu.memory_space<vmem>>, vector<60x256xf32>
    tpu.vector_store %arg6[%swap3A_349, %swap3A_350], %dot_general3A_348 {strides = array<i32>} : memref<1920x256xf32, #tpu.memory_space<vmem>>, vector<60x256xf32>,
    %get3A_352 = arith.constant 0 : index
    %get3A_353 = arith.constant 1140 : index
    %get3A_354 = vector.load %arg2[%get3A_352, %get3A_353] : memref<256x1920xf32, #tpu.memory_space<vmem>>, vector<256x60xf32>
    %dot_general3A_355 = arith.constant dense<0.000000e+00> : vector<60x256xf32>
    %dot_general3A_356 = tpu.matmul %get3A_354, %get3A_1, %dot_general3A_355 {dimension_numbers = #tpu.dot_dimension_numbers<[0], [0], [1], [1], [0, 1, 1, 1], [], []>, transpose_lhs_hint = false} : vector<256x60xf32>, vector<256x256xf32>, vector<60x256xf32> -> vector<60x256xf32>
    %swap3A_357 = arith.constant 1140 : index
    %swap3A_358 = arith.constant 0 : index
    %swap3A_359 = vector.load %arg7[%swap3A_357, %swap3A_358] : memref<1920x256xf32, #tpu.memory_space<vmem>>, vector<60x256xf32>
    tpu.vector_store %arg7[%swap3A_357, %swap3A_358], %dot_general3A_356 {strides = array<i32>} : memref<1920x256xf32, #tpu.memory_space<vmem>>, vector<60x256xf32>,
    %get3A_360 = arith.constant 20 : index
    %get3A_361 = arith.constant 0 : index
    %get3A_362 = arith.constant 0 : index
    %get3A_363 = vector.load %arg1[%get3A_360, %get3A_361, %get3A_362] : memref<32x256x60xf32, #tpu.memory_space<vmem>>, vector<1x256x60xf32>
    %get3A_364 = vector.shape_cast %get3A_363 : vector<1x256x60xf32> to vector<256x60xf32>
    %dot_general3A_365 = arith.constant dense<0.000000e+00> : vector<60x256xf32>
    %dot_general3A_366 = tpu.matmul %get3A_364, %get3A_1, %dot_general3A_365 {dimension_numbers = #tpu.dot_dimension_numbers<[0], [0], [1], [1], [0, 1, 1, 1], [], []>, transpose_lhs_hint = false} : vector<256x60xf32>, vector<256x256xf32>, vector<60x256xf32> -> vector<60x256xf32>
    %swap3A_367 = arith.constant 1200 : index
    %swap3A_368 = arith.constant 0 : index
    %swap3A_369 = vector.load %arg6[%swap3A_367, %swap3A_368] : memref<1920x256xf32, #tpu.memory_space<vmem>>, vector<60x256xf32>
    tpu.vector_store %arg6[%swap3A_367, %swap3A_368], %dot_general3A_366 {strides = array<i32>} : memref<1920x256xf32, #tpu.memory_space<vmem>>, vector<60x256xf32>,
    %get3A_370 = arith.constant 0 : index
    %get3A_371 = arith.constant 1200 : index
    %get3A_372 = vector.load %arg2[%get3A_370, %get3A_371] : memref<256x1920xf32, #tpu.memory_space<vmem>>, vector<256x60xf32>
    %dot_general3A_373 = arith.constant dense<0.000000e+00> : vector<60x256xf32>
    %dot_general3A_374 = tpu.matmul %get3A_372, %get3A_1, %dot_general3A_373 {dimension_numbers = #tpu.dot_dimension_numbers<[0], [0], [1], [1], [0, 1, 1, 1], [], []>, transpose_lhs_hint = false} : vector<256x60xf32>, vector<256x256xf32>, vector<60x256xf32> -> vector<60x256xf32>
    %swap3A_375 = arith.constant 1200 : index
    %swap3A_376 = arith.constant 0 : index
    %swap3A_377 = vector.load %arg7[%swap3A_375, %swap3A_376] : memref<1920x256xf32, #tpu.memory_space<vmem>>, vector<60x256xf32>
    tpu.vector_store %arg7[%swap3A_375, %swap3A_376], %dot_general3A_374 {strides = array<i32>} : memref<1920x256xf32, #tpu.memory_space<vmem>>, vector<60x256xf32>,
    %get3A_378 = arith.constant 21 : index
    %get3A_379 = arith.constant 0 : index
    %get3A_380 = arith.constant 0 : index
    %get3A_381 = vector.load %arg1[%get3A_378, %get3A_379, %get3A_380] : memref<32x256x60xf32, #tpu.memory_space<vmem>>, vector<1x256x60xf32>
    %get3A_382 = vector.shape_cast %get3A_381 : vector<1x256x60xf32> to vector<256x60xf32>
    %dot_general3A_383 = arith.constant dense<0.000000e+00> : vector<60x256xf32>
    %dot_general3A_384 = tpu.matmul %get3A_382, %get3A_1, %dot_general3A_383 {dimension_numbers = #tpu.dot_dimension_numbers<[0], [0], [1], [1], [0, 1, 1, 1], [], []>, transpose_lhs_hint = false} : vector<256x60xf32>, vector<256x256xf32>, vector<60x256xf32> -> vector<60x256xf32>
    %swap3A_385 = arith.constant 1260 : index
    %swap3A_386 = arith.constant 0 : index
    %swap3A_387 = vector.load %arg6[%swap3A_385, %swap3A_386] : memref<1920x256xf32, #tpu.memory_space<vmem>>, vector<60x256xf32>
    tpu.vector_store %arg6[%swap3A_385, %swap3A_386], %dot_general3A_384 {strides = array<i32>} : memref<1920x256xf32, #tpu.memory_space<vmem>>, vector<60x256xf32>,
    %get3A_388 = arith.constant 0 : index
    %get3A_389 = arith.constant 1260 : index
    %get3A_390 = vector.load %arg2[%get3A_388, %get3A_389] : memref<256x1920xf32, #tpu.memory_space<vmem>>, vector<256x60xf32>
    %dot_general3A_391 = arith.constant dense<0.000000e+00> : vector<60x256xf32>
    %dot_general3A_392 = tpu.matmul %get3A_390, %get3A_1, %dot_general3A_391 {dimension_numbers = #tpu.dot_dimension_numbers<[0], [0], [1], [1], [0, 1, 1, 1], [], []>, transpose_lhs_hint = false} : vector<256x60xf32>, vector<256x256xf32>, vector<60x256xf32> -> vector<60x256xf32>
    %swap3A_393 = arith.constant 1260 : index
    %swap3A_394 = arith.constant 0 : index
    %swap3A_395 = vector.load %arg7[%swap3A_393, %swap3A_394] : memref<1920x256xf32, #tpu.memory_space<vmem>>, vector<60x256xf32>
    tpu.vector_store %arg7[%swap3A_393, %swap3A_394], %dot_general3A_392 {strides = array<i32>} : memref<1920x256xf32, #tpu.memory_space<vmem>>, vector<60x256xf32>,
    %get3A_396 = arith.constant 22 : index
    %get3A_397 = arith.constant 0 : index
    %get3A_398 = arith.constant 0 : index
    %get3A_399 = vector.load %arg1[%get3A_396, %get3A_397, %get3A_398] : memref<32x256x60xf32, #tpu.memory_space<vmem>>, vector<1x256x60xf32>
    %get3A_400 = vector.shape_cast %get3A_399 : vector<1x256x60xf32> to vector<256x60xf32>
    %dot_general3A_401 = arith.constant dense<0.000000e+00> : vector<60x256xf32>
    %dot_general3A_402 = tpu.matmul %get3A_400, %get3A_1, %dot_general3A_401 {dimension_numbers = #tpu.dot_dimension_numbers<[0], [0], [1], [1], [0, 1, 1, 1], [], []>, transpose_lhs_hint = false} : vector<256x60xf32>, vector<256x256xf32>, vector<60x256xf32> -> vector<60x256xf32>
    %swap3A_403 = arith.constant 1320 : index
    %swap3A_404 = arith.constant 0 : index
    %swap3A_405 = vector.load %arg6[%swap3A_403, %swap3A_404] : memref<1920x256xf32, #tpu.memory_space<vmem>>, vector<60x256xf32>
    tpu.vector_store %arg6[%swap3A_403, %swap3A_404], %dot_general3A_402 {strides = array<i32>} : memref<1920x256xf32, #tpu.memory_space<vmem>>, vector<60x256xf32>,
    %get3A_406 = arith.constant 0 : index
    %get3A_407 = arith.constant 1320 : index
    %get3A_408 = vector.load %arg2[%get3A_406, %get3A_407] : memref<256x1920xf32, #tpu.memory_space<vmem>>, vector<256x60xf32>
    %dot_general3A_409 = arith.constant dense<0.000000e+00> : vector<60x256xf32>
    %dot_general3A_410 = tpu.matmul %get3A_408, %get3A_1, %dot_general3A_409 {dimension_numbers = #tpu.dot_dimension_numbers<[0], [0], [1], [1], [0, 1, 1, 1], [], []>, transpose_lhs_hint = false} : vector<256x60xf32>, vector<256x256xf32>, vector<60x256xf32> -> vector<60x256xf32>
    %swap3A_411 = arith.constant 1320 : index
    %swap3A_412 = arith.constant 0 : index
    %swap3A_413 = vector.load %arg7[%swap3A_411, %swap3A_412] : memref<1920x256xf32, #tpu.memory_space<vmem>>, vector<60x256xf32>
    tpu.vector_store %arg7[%swap3A_411, %swap3A_412], %dot_general3A_410 {strides = array<i32>} : memref<1920x256xf32, #tpu.memory_space<vmem>>, vector<60x256xf32>,
    %get3A_414 = arith.constant 23 : index
    %get3A_415 = arith.constant 0 : index
    %get3A_416 = arith.constant 0 : index
    %get3A_417 = vector.load %arg1[%get3A_414, %get3A_415, %get3A_416] : memref<32x256x60xf32, #tpu.memory_space<vmem>>, vector<1x256x60xf32>
    %get3A_418 = vector.shape_cast %get3A_417 : vector<1x256x60xf32> to vector<256x60xf32>
    %dot_general3A_419 = arith.constant dense<0.000000e+00> : vector<60x256xf32>
    %dot_general3A_420 = tpu.matmul %get3A_418, %get3A_1, %dot_general3A_419 {dimension_numbers = #tpu.dot_dimension_numbers<[0], [0], [1], [1], [0, 1, 1, 1], [], []>, transpose_lhs_hint = false} : vector<256x60xf32>, vector<256x256xf32>, vector<60x256xf32> -> vector<60x256xf32>
    %swap3A_421 = arith.constant 1380 : index
    %swap3A_422 = arith.constant 0 : index
    %swap3A_423 = vector.load %arg6[%swap3A_421, %swap3A_422] : memref<1920x256xf32, #tpu.memory_space<vmem>>, vector<60x256xf32>
    tpu.vector_store %arg6[%swap3A_421, %swap3A_422], %dot_general3A_420 {strides = array<i32>} : memref<1920x256xf32, #tpu.memory_space<vmem>>, vector<60x256xf32>,
    %get3A_424 = arith.constant 0 : index
    %get3A_425 = arith.constant 1380 : index
    %get3A_426 = vector.load %arg2[%get3A_424, %get3A_425] : memref<256x1920xf32, #tpu.memory_space<vmem>>, vector<256x60xf32>
    %dot_general3A_427 = arith.constant dense<0.000000e+00> : vector<60x256xf32>
    %dot_general3A_428 = tpu.matmul %get3A_426, %get3A_1, %dot_general3A_427 {dimension_numbers = #tpu.dot_dimension_numbers<[0], [0], [1], [1], [0, 1, 1, 1], [], []>, transpose_lhs_hint = false} : vector<256x60xf32>, vector<256x256xf32>, vector<60x256xf32> -> vector<60x256xf32>
    %swap3A_429 = arith.constant 1380 : index
    %swap3A_430 = arith.constant 0 : index
    %swap3A_431 = vector.load %arg7[%swap3A_429, %swap3A_430] : memref<1920x256xf32, #tpu.memory_space<vmem>>, vector<60x256xf32>
    tpu.vector_store %arg7[%swap3A_429, %swap3A_430], %dot_general3A_428 {strides = array<i32>} : memref<1920x256xf32, #tpu.memory_space<vmem>>, vector<60x256xf32>,
    %get3A_432 = arith.constant 24 : index
    %get3A_433 = arith.constant 0 : index
    %get3A_434 = arith.constant 0 : index
    %get3A_435 = vector.load %arg1[%get3A_432, %get3A_433, %get3A_434] : memref<32x256x60xf32, #tpu.memory_space<vmem>>, vector<1x256x60xf32>
    %get3A_436 = vector.shape_cast %get3A_435 : vector<1x256x60xf32> to vector<256x60xf32>
    %dot_general3A_437 = arith.constant dense<0.000000e+00> : vector<60x256xf32>
    %dot_general3A_438 = tpu.matmul %get3A_436, %get3A_1, %dot_general3A_437 {dimension_numbers = #tpu.dot_dimension_numbers<[0], [0], [1], [1], [0, 1, 1, 1], [], []>, transpose_lhs_hint = false} : vector<256x60xf32>, vector<256x256xf32>, vector<60x256xf32> -> vector<60x256xf32>
    %swap3A_439 = arith.constant 1440 : index
    %swap3A_440 = arith.constant 0 : index
    %swap3A_441 = vector.load %arg6[%swap3A_439, %swap3A_440] : memref<1920x256xf32, #tpu.memory_space<vmem>>, vector<60x256xf32>
    tpu.vector_store %arg6[%swap3A_439, %swap3A_440], %dot_general3A_438 {strides = array<i32>} : memref<1920x256xf32, #tpu.memory_space<vmem>>, vector<60x256xf32>,
    %get3A_442 = arith.constant 0 : index
    %get3A_443 = arith.constant 1440 : index
    %get3A_444 = vector.load %arg2[%get3A_442, %get3A_443] : memref<256x1920xf32, #tpu.memory_space<vmem>>, vector<256x60xf32>
    %dot_general3A_445 = arith.constant dense<0.000000e+00> : vector<60x256xf32>
    %dot_general3A_446 = tpu.matmul %get3A_444, %get3A_1, %dot_general3A_445 {dimension_numbers = #tpu.dot_dimension_numbers<[0], [0], [1], [1], [0, 1, 1, 1], [], []>, transpose_lhs_hint = false} : vector<256x60xf32>, vector<256x256xf32>, vector<60x256xf32> -> vector<60x256xf32>
    %swap3A_447 = arith.constant 1440 : index
    %swap3A_448 = arith.constant 0 : index
    %swap3A_449 = vector.load %arg7[%swap3A_447, %swap3A_448] : memref<1920x256xf32, #tpu.memory_space<vmem>>, vector<60x256xf32>
    tpu.vector_store %arg7[%swap3A_447, %swap3A_448], %dot_general3A_446 {strides = array<i32>} : memref<1920x256xf32, #tpu.memory_space<vmem>>, vector<60x256xf32>,
    %get3A_450 = arith.constant 25 : index
    %get3A_451 = arith.constant 0 : index
    %get3A_452 = arith.constant 0 : index
    %get3A_453 = vector.load %arg1[%get3A_450, %get3A_451, %get3A_452] : memref<32x256x60xf32, #tpu.memory_space<vmem>>, vector<1x256x60xf32>
    %get3A_454 = vector.shape_cast %get3A_453 : vector<1x256x60xf32> to vector<256x60xf32>
    %dot_general3A_455 = arith.constant dense<0.000000e+00> : vector<60x256xf32>
    %dot_general3A_456 = tpu.matmul %get3A_454, %get3A_1, %dot_general3A_455 {dimension_numbers = #tpu.dot_dimension_numbers<[0], [0], [1], [1], [0, 1, 1, 1], [], []>, transpose_lhs_hint = false} : vector<256x60xf32>, vector<256x256xf32>, vector<60x256xf32> -> vector<60x256xf32>
    %swap3A_457 = arith.constant 1500 : index
    %swap3A_458 = arith.constant 0 : index
    %swap3A_459 = vector.load %arg6[%swap3A_457, %swap3A_458] : memref<1920x256xf32, #tpu.memory_space<vmem>>, vector<60x256xf32>
    tpu.vector_store %arg6[%swap3A_457, %swap3A_458], %dot_general3A_456 {strides = array<i32>} : memref<1920x256xf32, #tpu.memory_space<vmem>>, vector<60x256xf32>,
    %get3A_460 = arith.constant 0 : index
    %get3A_461 = arith.constant 1500 : index
    %get3A_462 = vector.load %arg2[%get3A_460, %get3A_461] : memref<256x1920xf32, #tpu.memory_space<vmem>>, vector<256x60xf32>
    %dot_general3A_463 = arith.constant dense<0.000000e+00> : vector<60x256xf32>
    %dot_general3A_464 = tpu.matmul %get3A_462, %get3A_1, %dot_general3A_463 {dimension_numbers = #tpu.dot_dimension_numbers<[0], [0], [1], [1], [0, 1, 1, 1], [], []>, transpose_lhs_hint = false} : vector<256x60xf32>, vector<256x256xf32>, vector<60x256xf32> -> vector<60x256xf32>
    %swap3A_465 = arith.constant 1500 : index
    %swap3A_466 = arith.constant 0 : index
    %swap3A_467 = vector.load %arg7[%swap3A_465, %swap3A_466] : memref<1920x256xf32, #tpu.memory_space<vmem>>, vector<60x256xf32>
    tpu.vector_store %arg7[%swap3A_465, %swap3A_466], %dot_general3A_464 {strides = array<i32>} : memref<1920x256xf32, #tpu.memory_space<vmem>>, vector<60x256xf32>,
    %get3A_468 = arith.constant 26 : index
    %get3A_469 = arith.constant 0 : index
    %get3A_470 = arith.constant 0 : index
    %get3A_471 = vector.load %arg1[%get3A_468, %get3A_469, %get3A_470] : memref<32x256x60xf32, #tpu.memory_space<vmem>>, vector<1x256x60xf32>
    %get3A_472 = vector.shape_cast %get3A_471 : vector<1x256x60xf32> to vector<256x60xf32>
    %dot_general3A_473 = arith.constant dense<0.000000e+00> : vector<60x256xf32>
    %dot_general3A_474 = tpu.matmul %get3A_472, %get3A_1, %dot_general3A_473 {dimension_numbers = #tpu.dot_dimension_numbers<[0], [0], [1], [1], [0, 1, 1, 1], [], []>, transpose_lhs_hint = false} : vector<256x60xf32>, vector<256x256xf32>, vector<60x256xf32> -> vector<60x256xf32>
    %swap3A_475 = arith.constant 1560 : index
    %swap3A_476 = arith.constant 0 : index
    %swap3A_477 = vector.load %arg6[%swap3A_475, %swap3A_476] : memref<1920x256xf32, #tpu.memory_space<vmem>>, vector<60x256xf32>
    tpu.vector_store %arg6[%swap3A_475, %swap3A_476], %dot_general3A_474 {strides = array<i32>} : memref<1920x256xf32, #tpu.memory_space<vmem>>, vector<60x256xf32>,
    %get3A_478 = arith.constant 0 : index
    %get3A_479 = arith.constant 1560 : index
    %get3A_480 = vector.load %arg2[%get3A_478, %get3A_479] : memref<256x1920xf32, #tpu.memory_space<vmem>>, vector<256x60xf32>
    %dot_general3A_481 = arith.constant dense<0.000000e+00> : vector<60x256xf32>
    %dot_general3A_482 = tpu.matmul %get3A_480, %get3A_1, %dot_general3A_481 {dimension_numbers = #tpu.dot_dimension_numbers<[0], [0], [1], [1], [0, 1, 1, 1], [], []>, transpose_lhs_hint = false} : vector<256x60xf32>, vector<256x256xf32>, vector<60x256xf32> -> vector<60x256xf32>
    %swap3A_483 = arith.constant 1560 : index
    %swap3A_484 = arith.constant 0 : index
    %swap3A_485 = vector.load %arg7[%swap3A_483, %swap3A_484] : memref<1920x256xf32, #tpu.memory_space<vmem>>, vector<60x256xf32>
    tpu.vector_store %arg7[%swap3A_483, %swap3A_484], %dot_general3A_482 {strides = array<i32>} : memref<1920x256xf32, #tpu.memory_space<vmem>>, vector<60x256xf32>,
    %get3A_486 = arith.constant 27 : index
    %get3A_487 = arith.constant 0 : index
    %get3A_488 = arith.constant 0 : index
    %get3A_489 = vector.load %arg1[%get3A_486, %get3A_487, %get3A_488] : memref<32x256x60xf32, #tpu.memory_space<vmem>>, vector<1x256x60xf32>
    %get3A_490 = vector.shape_cast %get3A_489 : vector<1x256x60xf32> to vector<256x60xf32>
    %dot_general3A_491 = arith.constant dense<0.000000e+00> : vector<60x256xf32>
    %dot_general3A_492 = tpu.matmul %get3A_490, %get3A_1, %dot_general3A_491 {dimension_numbers = #tpu.dot_dimension_numbers<[0], [0], [1], [1], [0, 1, 1, 1], [], []>, transpose_lhs_hint = false} : vector<256x60xf32>, vector<256x256xf32>, vector<60x256xf32> -> vector<60x256xf32>
    %swap3A_493 = arith.constant 1620 : index
    %swap3A_494 = arith.constant 0 : index
    %swap3A_495 = vector.load %arg6[%swap3A_493, %swap3A_494] : memref<1920x256xf32, #tpu.memory_space<vmem>>, vector<60x256xf32>
    tpu.vector_store %arg6[%swap3A_493, %swap3A_494], %dot_general3A_492 {strides = array<i32>} : memref<1920x256xf32, #tpu.memory_space<vmem>>, vector<60x256xf32>,
    %get3A_496 = arith.constant 0 : index
    %get3A_497 = arith.constant 1620 : index
    %get3A_498 = vector.load %arg2[%get3A_496, %get3A_497] : memref<256x1920xf32, #tpu.memory_space<vmem>>, vector<256x60xf32>
    %dot_general3A_499 = arith.constant dense<0.000000e+00> : vector<60x256xf32>
    %dot_general3A_500 = tpu.matmul %get3A_498, %get3A_1, %dot_general3A_499 {dimension_numbers = #tpu.dot_dimension_numbers<[0], [0], [1], [1], [0, 1, 1, 1], [], []>, transpose_lhs_hint = false} : vector<256x60xf32>, vector<256x256xf32>, vector<60x256xf32> -> vector<60x256xf32>
    %swap3A_501 = arith.constant 1620 : index
    %swap3A_502 = arith.constant 0 : index
    %swap3A_503 = vector.load %arg7[%swap3A_501, %swap3A_502] : memref<1920x256xf32, #tpu.memory_space<vmem>>, vector<60x256xf32>
    tpu.vector_store %arg7[%swap3A_501, %swap3A_502], %dot_general3A_500 {strides = array<i32>} : memref<1920x256xf32, #tpu.memory_space<vmem>>, vector<60x256xf32>,
    %get3A_504 = arith.constant 28 : index
    %get3A_505 = arith.constant 0 : index
    %get3A_506 = arith.constant 0 : index
    %get3A_507 = vector.load %arg1[%get3A_504, %get3A_505, %get3A_506] : memref<32x256x60xf32, #tpu.memory_space<vmem>>, vector<1x256x60xf32>
    %get3A_508 = vector.shape_cast %get3A_507 : vector<1x256x60xf32> to vector<256x60xf32>
    %dot_general3A_509 = arith.constant dense<0.000000e+00> : vector<60x256xf32>
    %dot_general3A_510 = tpu.matmul %get3A_508, %get3A_1, %dot_general3A_509 {dimension_numbers = #tpu.dot_dimension_numbers<[0], [0], [1], [1], [0, 1, 1, 1], [], []>, transpose_lhs_hint = false} : vector<256x60xf32>, vector<256x256xf32>, vector<60x256xf32> -> vector<60x256xf32>
    %swap3A_511 = arith.constant 1680 : index
    %swap3A_512 = arith.constant 0 : index
    %swap3A_513 = vector.load %arg6[%swap3A_511, %swap3A_512] : memref<1920x256xf32, #tpu.memory_space<vmem>>, vector<60x256xf32>
    tpu.vector_store %arg6[%swap3A_511, %swap3A_512], %dot_general3A_510 {strides = array<i32>} : memref<1920x256xf32, #tpu.memory_space<vmem>>, vector<60x256xf32>,
    %get3A_514 = arith.constant 0 : index
    %get3A_515 = arith.constant 1680 : index
    %get3A_516 = vector.load %arg2[%get3A_514, %get3A_515] : memref<256x1920xf32, #tpu.memory_space<vmem>>, vector<256x60xf32>
    %dot_general3A_517 = arith.constant dense<0.000000e+00> : vector<60x256xf32>
    %dot_general3A_518 = tpu.matmul %get3A_516, %get3A_1, %dot_general3A_517 {dimension_numbers = #tpu.dot_dimension_numbers<[0], [0], [1], [1], [0, 1, 1, 1], [], []>, transpose_lhs_hint = false} : vector<256x60xf32>, vector<256x256xf32>, vector<60x256xf32> -> vector<60x256xf32>
    %swap3A_519 = arith.constant 1680 : index
    %swap3A_520 = arith.constant 0 : index
    %swap3A_521 = vector.load %arg7[%swap3A_519, %swap3A_520] : memref<1920x256xf32, #tpu.memory_space<vmem>>, vector<60x256xf32>
    tpu.vector_store %arg7[%swap3A_519, %swap3A_520], %dot_general3A_518 {strides = array<i32>} : memref<1920x256xf32, #tpu.memory_space<vmem>>, vector<60x256xf32>,
    %get3A_522 = arith.constant 29 : index
    %get3A_523 = arith.constant 0 : index
    %get3A_524 = arith.constant 0 : index
    %get3A_525 = vector.load %arg1[%get3A_522, %get3A_523, %get3A_524] : memref<32x256x60xf32, #tpu.memory_space<vmem>>, vector<1x256x60xf32>
    %get3A_526 = vector.shape_cast %get3A_525 : vector<1x256x60xf32> to vector<256x60xf32>
    %dot_general3A_527 = arith.constant dense<0.000000e+00> : vector<60x256xf32>
    %dot_general3A_528 = tpu.matmul %get3A_526, %get3A_1, %dot_general3A_527 {dimension_numbers = #tpu.dot_dimension_numbers<[0], [0], [1], [1], [0, 1, 1, 1], [], []>, transpose_lhs_hint = false} : vector<256x60xf32>, vector<256x256xf32>, vector<60x256xf32> -> vector<60x256xf32>
    %swap3A_529 = arith.constant 1740 : index
    %swap3A_530 = arith.constant 0 : index
    %swap3A_531 = vector.load %arg6[%swap3A_529, %swap3A_530] : memref<1920x256xf32, #tpu.memory_space<vmem>>, vector<60x256xf32>
    tpu.vector_store %arg6[%swap3A_529, %swap3A_530], %dot_general3A_528 {strides = array<i32>} : memref<1920x256xf32, #tpu.memory_space<vmem>>, vector<60x256xf32>,
    %get3A_532 = arith.constant 0 : index
    %get3A_533 = arith.constant 1740 : index
    %get3A_534 = vector.load %arg2[%get3A_532, %get3A_533] : memref<256x1920xf32, #tpu.memory_space<vmem>>, vector<256x60xf32>
    %dot_general3A_535 = arith.constant dense<0.000000e+00> : vector<60x256xf32>
    %dot_general3A_536 = tpu.matmul %get3A_534, %get3A_1, %dot_general3A_535 {dimension_numbers = #tpu.dot_dimension_numbers<[0], [0], [1], [1], [0, 1, 1, 1], [], []>, transpose_lhs_hint = false} : vector<256x60xf32>, vector<256x256xf32>, vector<60x256xf32> -> vector<60x256xf32>
    %swap3A_537 = arith.constant 1740 : index
    %swap3A_538 = arith.constant 0 : index
    %swap3A_539 = vector.load %arg7[%swap3A_537, %swap3A_538] : memref<1920x256xf32, #tpu.memory_space<vmem>>, vector<60x256xf32>
    tpu.vector_store %arg7[%swap3A_537, %swap3A_538], %dot_general3A_536 {strides = array<i32>} : memref<1920x256xf32, #tpu.memory_space<vmem>>, vector<60x256xf32>,
    %get3A_540 = arith.constant 30 : index
    %get3A_541 = arith.constant 0 : index
    %get3A_542 = arith.constant 0 : index
    %get3A_543 = vector.load %arg1[%get3A_540, %get3A_541, %get3A_542] : memref<32x256x60xf32, #tpu.memory_space<vmem>>, vector<1x256x60xf32>
    %get3A_544 = vector.shape_cast %get3A_543 : vector<1x256x60xf32> to vector<256x60xf32>
    %dot_general3A_545 = arith.constant dense<0.000000e+00> : vector<60x256xf32>
    %dot_general3A_546 = tpu.matmul %get3A_544, %get3A_1, %dot_general3A_545 {dimension_numbers = #tpu.dot_dimension_numbers<[0], [0], [1], [1], [0, 1, 1, 1], [], []>, transpose_lhs_hint = false} : vector<256x60xf32>, vector<256x256xf32>, vector<60x256xf32> -> vector<60x256xf32>
    %swap3A_547 = arith.constant 1800 : index
    %swap3A_548 = arith.constant 0 : index
    %swap3A_549 = vector.load %arg6[%swap3A_547, %swap3A_548] : memref<1920x256xf32, #tpu.memory_space<vmem>>, vector<60x256xf32>
    tpu.vector_store %arg6[%swap3A_547, %swap3A_548], %dot_general3A_546 {strides = array<i32>} : memref<1920x256xf32, #tpu.memory_space<vmem>>, vector<60x256xf32>,
    %get3A_550 = arith.constant 0 : index
    %get3A_551 = arith.constant 1800 : index
    %get3A_552 = vector.load %arg2[%get3A_550, %get3A_551] : memref<256x1920xf32, #tpu.memory_space<vmem>>, vector<256x60xf32>
    %dot_general3A_553 = arith.constant dense<0.000000e+00> : vector<60x256xf32>
    %dot_general3A_554 = tpu.matmul %get3A_552, %get3A_1, %dot_general3A_553 {dimension_numbers = #tpu.dot_dimension_numbers<[0], [0], [1], [1], [0, 1, 1, 1], [], []>, transpose_lhs_hint = false} : vector<256x60xf32>, vector<256x256xf32>, vector<60x256xf32> -> vector<60x256xf32>
    %swap3A_555 = arith.constant 1800 : index
    %swap3A_556 = arith.constant 0 : index
    %swap3A_557 = vector.load %arg7[%swap3A_555, %swap3A_556] : memref<1920x256xf32, #tpu.memory_space<vmem>>, vector<60x256xf32>
    tpu.vector_store %arg7[%swap3A_555, %swap3A_556], %dot_general3A_554 {strides = array<i32>} : memref<1920x256xf32, #tpu.memory_space<vmem>>, vector<60x256xf32>,
    %get3A_558 = arith.constant 31 : index
    %get3A_559 = arith.constant 0 : index
    %get3A_560 = arith.constant 0 : index
    %get3A_561 = vector.load %arg1[%get3A_558, %get3A_559, %get3A_560] : memref<32x256x60xf32, #tpu.memory_space<vmem>>, vector<1x256x60xf32>
    %get3A_562 = vector.shape_cast %get3A_561 : vector<1x256x60xf32> to vector<256x60xf32>
    %dot_general3A_563 = arith.constant dense<0.000000e+00> : vector<60x256xf32>
    %dot_general3A_564 = tpu.matmul %get3A_562, %get3A_1, %dot_general3A_563 {dimension_numbers = #tpu.dot_dimension_numbers<[0], [0], [1], [1], [0, 1, 1, 1], [], []>, transpose_lhs_hint = false} : vector<256x60xf32>, vector<256x256xf32>, vector<60x256xf32> -> vector<60x256xf32>
    %swap3A_565 = arith.constant 1860 : index
    %swap3A_566 = arith.constant 0 : index
    %swap3A_567 = vector.load %arg6[%swap3A_565, %swap3A_566] : memref<1920x256xf32, #tpu.memory_space<vmem>>, vector<60x256xf32>
    tpu.vector_store %arg6[%swap3A_565, %swap3A_566], %dot_general3A_564 {strides = array<i32>} : memref<1920x256xf32, #tpu.memory_space<vmem>>, vector<60x256xf32>,
    %get3A_568 = arith.constant 0 : index
    %get3A_569 = arith.constant 1860 : index
    %get3A_570 = vector.load %arg2[%get3A_568, %get3A_569] : memref<256x1920xf32, #tpu.memory_space<vmem>>, vector<256x60xf32>
    %dot_general3A_571 = arith.constant dense<0.000000e+00> : vector<60x256xf32>
    %dot_general3A_572 = tpu.matmul %get3A_570, %get3A_1, %dot_general3A_571 {dimension_numbers = #tpu.dot_dimension_numbers<[0], [0], [1], [1], [0, 1, 1, 1], [], []>, transpose_lhs_hint = false} : vector<256x60xf32>, vector<256x256xf32>, vector<60x256xf32> -> vector<60x256xf32>
    %swap3A_573 = arith.constant 1860 : index
    %swap3A_574 = arith.constant 0 : index
    %swap3A_575 = vector.load %arg7[%swap3A_573, %swap3A_574] : memref<1920x256xf32, #tpu.memory_space<vmem>>, vector<60x256xf32>
    tpu.vector_store %arg7[%swap3A_573, %swap3A_574], %dot_general3A_572 {strides = array<i32>} : memref<1920x256xf32, #tpu.memory_space<vmem>>, vector<60x256xf32>,
    %broadcast_in_dim3A = arith.constant 0.000000e+00 : f32
    %broadcast_in_dim3A_576 = vector.broadcast %broadcast_in_dim3A : f32 to vector<60x256xf32>
    %scan3A = arith.constant 0 : i32
    %scan3A_577 = arith.constant 30 : i32
    %scan3A_578 = arith.addi %scan3A, %scan3A_577 : i32
    %scan3A_579 = arith.constant 1 : i32
    %scan3A_580 = scf.for %scan3A_585 = %scan3A to %scan3A_578 step %scan3A_579 iter_args(%scan3A_586 = %broadcast_in_dim3A_576) -> (vector<60x256xf32>)  : i32 {
      %mul3A = arith.constant 2 : i32
      %mul3A_587 = arith.muli %mul3A, %scan3A_585 : i32
      %broadcast_in_dim3A_588 = arith.constant 0.000000e+00 : f32
      %broadcast_in_dim3A_589 = vector.broadcast %broadcast_in_dim3A_588 : f32 to vector<60x256xf32>
      %broadcast_in_dim3A_590 = arith.constant 0.000000e+00 : f32
      %broadcast_in_dim3A_591 = vector.broadcast %broadcast_in_dim3A_590 : f32 to vector<60x256xf32>
      %get3A_592 = arith.constant 0 : index
      %get3A_593 = arith.constant 0 : index
      %get3A_594 = vector.load %arg7[%get3A_592, %get3A_593] : memref<1920x256xf32, #tpu.memory_space<vmem>>, vector<60x256xf32>
      %add3A = arith.constant 0 : i32
      %add3A_595 = arith.addi %add3A, %mul3A_587 : i32
      %get3A_596 = arith.index_cast %add3A_595 : i32 to index
      %get3A_597 = arith.constant 0 : index
      %get3A_598 = vector.load %arg6[%get3A_596, %get3A_597] : memref<1920x256xf32, #tpu.memory_space<vmem>>, vector<1x256xf32>
      %mul3A_599 = vector.broadcast %get3A_598 : vector<1x256xf32> to vector<60x256xf32>
      %mul3A_600 = arith.mulf %mul3A_599, %get3A_594 : vector<60x256xf32>
      %add3A_601 = arith.addf %broadcast_in_dim3A_589, %mul3A_600 : vector<60x256xf32>
      %add3A_602 = arith.constant 0 : i32
      %add3A_603 = arith.addi %add3A_602, %mul3A_587 : i32
      %add3A_604 = arith.constant 1 : i32
      %add3A_605 = arith.addi %add3A_603, %add3A_604 : i32
      %get3A_606 = arith.index_cast %add3A_605 : i32 to index
      %get3A_607 = arith.constant 0 : index
      %get3A_608 = vector.load %arg6[%get3A_606, %get3A_607] : memref<1920x256xf32, #tpu.memory_space<vmem>>, vector<1x256xf32>
      %mul3A_609 = vector.broadcast %get3A_608 : vector<1x256xf32> to vector<60x256xf32>
      %mul3A_610 = arith.mulf %mul3A_609, %get3A_594 : vector<60x256xf32>
      %add3A_611 = arith.addf %broadcast_in_dim3A_591, %mul3A_610 : vector<60x256xf32>
      %get3A_612 = arith.constant 60 : index
      %get3A_613 = arith.constant 0 : index
      %get3A_614 = vector.load %arg7[%get3A_612, %get3A_613] : memref<1920x256xf32, #tpu.memory_space<vmem>>, vector<60x256xf32>
      %add3A_615 = arith.constant 60 : i32
      %add3A_616 = arith.addi %add3A_615, %mul3A_587 : i32
      %get3A_617 = arith.index_cast %add3A_616 : i32 to index
      %get3A_618 = arith.constant 0 : index
      %get3A_619 = vector.load %arg6[%get3A_617, %get3A_618] : memref<1920x256xf32, #tpu.memory_space<vmem>>, vector<1x256xf32>
      %mul3A_620 = vector.broadcast %get3A_619 : vector<1x256xf32> to vector<60x256xf32>
      %mul3A_621 = arith.mulf %mul3A_620, %get3A_614 : vector<60x256xf32>
      %add3A_622 = arith.addf %add3A_601, %mul3A_621 : vector<60x256xf32>
      %add3A_623 = arith.constant 60 : i32
      %add3A_624 = arith.addi %add3A_623, %mul3A_587 : i32
      %add3A_625 = arith.constant 1 : i32
      %add3A_626 = arith.addi %add3A_624, %add3A_625 : i32
      %get3A_627 = arith.index_cast %add3A_626 : i32 to index
      %get3A_628 = arith.constant 0 : index
      %get3A_629 = vector.load %arg6[%get3A_627, %get3A_628] : memref<1920x256xf32, #tpu.memory_space<vmem>>, vector<1x256xf32>
      %mul3A_630 = vector.broadcast %get3A_629 : vector<1x256xf32> to vector<60x256xf32>
      %mul3A_631 = arith.mulf %mul3A_630, %get3A_614 : vector<60x256xf32>
      %add3A_632 = arith.addf %add3A_611, %mul3A_631 : vector<60x256xf32>
      %get3A_633 = arith.constant 120 : index
      %get3A_634 = arith.constant 0 : index
      %get3A_635 = vector.load %arg7[%get3A_633, %get3A_634] : memref<1920x256xf32, #tpu.memory_space<vmem>>, vector<60x256xf32>
      %add3A_636 = arith.constant 120 : i32
      %add3A_637 = arith.addi %add3A_636, %mul3A_587 : i32
      %get3A_638 = arith.index_cast %add3A_637 : i32 to index
      %get3A_639 = arith.constant 0 : index
      %get3A_640 = vector.load %arg6[%get3A_638, %get3A_639] : memref<1920x256xf32, #tpu.memory_space<vmem>>, vector<1x256xf32>
      %mul3A_641 = vector.broadcast %get3A_640 : vector<1x256xf32> to vector<60x256xf32>
      %mul3A_642 = arith.mulf %mul3A_641, %get3A_635 : vector<60x256xf32>
      %add3A_643 = arith.addf %add3A_622, %mul3A_642 : vector<60x256xf32>
      %add3A_644 = arith.constant 120 : i32
      %add3A_645 = arith.addi %add3A_644, %mul3A_587 : i32
      %add3A_646 = arith.constant 1 : i32
      %add3A_647 = arith.addi %add3A_645, %add3A_646 : i32
      %get3A_648 = arith.index_cast %add3A_647 : i32 to index
      %get3A_649 = arith.constant 0 : index
      %get3A_650 = vector.load %arg6[%get3A_648, %get3A_649] : memref<1920x256xf32, #tpu.memory_space<vmem>>, vector<1x256xf32>
      %mul3A_651 = vector.broadcast %get3A_650 : vector<1x256xf32> to vector<60x256xf32>
      %mul3A_652 = arith.mulf %mul3A_651, %get3A_635 : vector<60x256xf32>
      %add3A_653 = arith.addf %add3A_632, %mul3A_652 : vector<60x256xf32>
      %get3A_654 = arith.constant 180 : index
      %get3A_655 = arith.constant 0 : index
      %get3A_656 = vector.load %arg7[%get3A_654, %get3A_655] : memref<1920x256xf32, #tpu.memory_space<vmem>>, vector<60x256xf32>
      %add3A_657 = arith.constant 180 : i32
      %add3A_658 = arith.addi %add3A_657, %mul3A_587 : i32
      %get3A_659 = arith.index_cast %add3A_658 : i32 to index
      %get3A_660 = arith.constant 0 : index
      %get3A_661 = vector.load %arg6[%get3A_659, %get3A_660] : memref<1920x256xf32, #tpu.memory_space<vmem>>, vector<1x256xf32>
      %mul3A_662 = vector.broadcast %get3A_661 : vector<1x256xf32> to vector<60x256xf32>
      %mul3A_663 = arith.mulf %mul3A_662, %get3A_656 : vector<60x256xf32>
      %add3A_664 = arith.addf %add3A_643, %mul3A_663 : vector<60x256xf32>
      %add3A_665 = arith.constant 180 : i32
      %add3A_666 = arith.addi %add3A_665, %mul3A_587 : i32
      %add3A_667 = arith.constant 1 : i32
      %add3A_668 = arith.addi %add3A_666, %add3A_667 : i32
      %get3A_669 = arith.index_cast %add3A_668 : i32 to index
      %get3A_670 = arith.constant 0 : index
      %get3A_671 = vector.load %arg6[%get3A_669, %get3A_670] : memref<1920x256xf32, #tpu.memory_space<vmem>>, vector<1x256xf32>
      %mul3A_672 = vector.broadcast %get3A_671 : vector<1x256xf32> to vector<60x256xf32>
      %mul3A_673 = arith.mulf %mul3A_672, %get3A_656 : vector<60x256xf32>
      %add3A_674 = arith.addf %add3A_653, %mul3A_673 : vector<60x256xf32>
      %get3A_675 = arith.constant 240 : index
      %get3A_676 = arith.constant 0 : index
      %get3A_677 = vector.load %arg7[%get3A_675, %get3A_676] : memref<1920x256xf32, #tpu.memory_space<vmem>>, vector<60x256xf32>
      %add3A_678 = arith.constant 240 : i32
      %add3A_679 = arith.addi %add3A_678, %mul3A_587 : i32
      %get3A_680 = arith.index_cast %add3A_679 : i32 to index
      %get3A_681 = arith.constant 0 : index
      %get3A_682 = vector.load %arg6[%get3A_680, %get3A_681] : memref<1920x256xf32, #tpu.memory_space<vmem>>, vector<1x256xf32>
      %mul3A_683 = vector.broadcast %get3A_682 : vector<1x256xf32> to vector<60x256xf32>
      %mul3A_684 = arith.mulf %mul3A_683, %get3A_677 : vector<60x256xf32>
      %add3A_685 = arith.addf %add3A_664, %mul3A_684 : vector<60x256xf32>
      %add3A_686 = arith.constant 240 : i32
      %add3A_687 = arith.addi %add3A_686, %mul3A_587 : i32
      %add3A_688 = arith.constant 1 : i32
      %add3A_689 = arith.addi %add3A_687, %add3A_688 : i32
      %get3A_690 = arith.index_cast %add3A_689 : i32 to index
      %get3A_691 = arith.constant 0 : index
      %get3A_692 = vector.load %arg6[%get3A_690, %get3A_691] : memref<1920x256xf32, #tpu.memory_space<vmem>>, vector<1x256xf32>
      %mul3A_693 = vector.broadcast %get3A_692 : vector<1x256xf32> to vector<60x256xf32>
      %mul3A_694 = arith.mulf %mul3A_693, %get3A_677 : vector<60x256xf32>
      %add3A_695 = arith.addf %add3A_674, %mul3A_694 : vector<60x256xf32>
      %get3A_696 = arith.constant 300 : index
      %get3A_697 = arith.constant 0 : index
      %get3A_698 = vector.load %arg7[%get3A_696, %get3A_697] : memref<1920x256xf32, #tpu.memory_space<vmem>>, vector<60x256xf32>
      %add3A_699 = arith.constant 300 : i32
      %add3A_700 = arith.addi %add3A_699, %mul3A_587 : i32
      %get3A_701 = arith.index_cast %add3A_700 : i32 to index
      %get3A_702 = arith.constant 0 : index
      %get3A_703 = vector.load %arg6[%get3A_701, %get3A_702] : memref<1920x256xf32, #tpu.memory_space<vmem>>, vector<1x256xf32>
      %mul3A_704 = vector.broadcast %get3A_703 : vector<1x256xf32> to vector<60x256xf32>
      %mul3A_705 = arith.mulf %mul3A_704, %get3A_698 : vector<60x256xf32>
      %add3A_706 = arith.addf %add3A_685, %mul3A_705 : vector<60x256xf32>
      %add3A_707 = arith.constant 300 : i32
      %add3A_708 = arith.addi %add3A_707, %mul3A_587 : i32
      %add3A_709 = arith.constant 1 : i32
      %add3A_710 = arith.addi %add3A_708, %add3A_709 : i32
      %get3A_711 = arith.index_cast %add3A_710 : i32 to index
      %get3A_712 = arith.constant 0 : index
      %get3A_713 = vector.load %arg6[%get3A_711, %get3A_712] : memref<1920x256xf32, #tpu.memory_space<vmem>>, vector<1x256xf32>
      %mul3A_714 = vector.broadcast %get3A_713 : vector<1x256xf32> to vector<60x256xf32>
      %mul3A_715 = arith.mulf %mul3A_714, %get3A_698 : vector<60x256xf32>
      %add3A_716 = arith.addf %add3A_695, %mul3A_715 : vector<60x256xf32>
      %get3A_717 = arith.constant 360 : index
      %get3A_718 = arith.constant 0 : index
      %get3A_719 = vector.load %arg7[%get3A_717, %get3A_718] : memref<1920x256xf32, #tpu.memory_space<vmem>>, vector<60x256xf32>
      %add3A_720 = arith.constant 360 : i32
      %add3A_721 = arith.addi %add3A_720, %mul3A_587 : i32
      %get3A_722 = arith.index_cast %add3A_721 : i32 to index
      %get3A_723 = arith.constant 0 : index
      %get3A_724 = vector.load %arg6[%get3A_722, %get3A_723] : memref<1920x256xf32, #tpu.memory_space<vmem>>, vector<1x256xf32>
      %mul3A_725 = vector.broadcast %get3A_724 : vector<1x256xf32> to vector<60x256xf32>
      %mul3A_726 = arith.mulf %mul3A_725, %get3A_719 : vector<60x256xf32>
      %add3A_727 = arith.addf %add3A_706, %mul3A_726 : vector<60x256xf32>
      %add3A_728 = arith.constant 360 : i32
      %add3A_729 = arith.addi %add3A_728, %mul3A_587 : i32
      %add3A_730 = arith.constant 1 : i32
      %add3A_731 = arith.addi %add3A_729, %add3A_730 : i32
      %get3A_732 = arith.index_cast %add3A_731 : i32 to index
      %get3A_733 = arith.constant 0 : index
      %get3A_734 = vector.load %arg6[%get3A_732, %get3A_733] : memref<1920x256xf32, #tpu.memory_space<vmem>>, vector<1x256xf32>
      %mul3A_735 = vector.broadcast %get3A_734 : vector<1x256xf32> to vector<60x256xf32>
      %mul3A_736 = arith.mulf %mul3A_735, %get3A_719 : vector<60x256xf32>
      %add3A_737 = arith.addf %add3A_716, %mul3A_736 : vector<60x256xf32>
      %get3A_738 = arith.constant 420 : index
      %get3A_739 = arith.constant 0 : index
      %get3A_740 = vector.load %arg7[%get3A_738, %get3A_739] : memref<1920x256xf32, #tpu.memory_space<vmem>>, vector<60x256xf32>
      %add3A_741 = arith.constant 420 : i32
      %add3A_742 = arith.addi %add3A_741, %mul3A_587 : i32
      %get3A_743 = arith.index_cast %add3A_742 : i32 to index
      %get3A_744 = arith.constant 0 : index
      %get3A_745 = vector.load %arg6[%get3A_743, %get3A_744] : memref<1920x256xf32, #tpu.memory_space<vmem>>, vector<1x256xf32>
      %mul3A_746 = vector.broadcast %get3A_745 : vector<1x256xf32> to vector<60x256xf32>
      %mul3A_747 = arith.mulf %mul3A_746, %get3A_740 : vector<60x256xf32>
      %add3A_748 = arith.addf %add3A_727, %mul3A_747 : vector<60x256xf32>
      %add3A_749 = arith.constant 420 : i32
      %add3A_750 = arith.addi %add3A_749, %mul3A_587 : i32
      %add3A_751 = arith.constant 1 : i32
      %add3A_752 = arith.addi %add3A_750, %add3A_751 : i32
      %get3A_753 = arith.index_cast %add3A_752 : i32 to index
      %get3A_754 = arith.constant 0 : index
      %get3A_755 = vector.load %arg6[%get3A_753, %get3A_754] : memref<1920x256xf32, #tpu.memory_space<vmem>>, vector<1x256xf32>
      %mul3A_756 = vector.broadcast %get3A_755 : vector<1x256xf32> to vector<60x256xf32>
      %mul3A_757 = arith.mulf %mul3A_756, %get3A_740 : vector<60x256xf32>
      %add3A_758 = arith.addf %add3A_737, %mul3A_757 : vector<60x256xf32>
      %get3A_759 = arith.constant 480 : index
      %get3A_760 = arith.constant 0 : index
      %get3A_761 = vector.load %arg7[%get3A_759, %get3A_760] : memref<1920x256xf32, #tpu.memory_space<vmem>>, vector<60x256xf32>
      %add3A_762 = arith.constant 480 : i32
      %add3A_763 = arith.addi %add3A_762, %mul3A_587 : i32
      %get3A_764 = arith.index_cast %add3A_763 : i32 to index
      %get3A_765 = arith.constant 0 : index
      %get3A_766 = vector.load %arg6[%get3A_764, %get3A_765] : memref<1920x256xf32, #tpu.memory_space<vmem>>, vector<1x256xf32>
      %mul3A_767 = vector.broadcast %get3A_766 : vector<1x256xf32> to vector<60x256xf32>
      %mul3A_768 = arith.mulf %mul3A_767, %get3A_761 : vector<60x256xf32>
      %add3A_769 = arith.addf %add3A_748, %mul3A_768 : vector<60x256xf32>
      %add3A_770 = arith.constant 480 : i32
      %add3A_771 = arith.addi %add3A_770, %mul3A_587 : i32
      %add3A_772 = arith.constant 1 : i32
      %add3A_773 = arith.addi %add3A_771, %add3A_772 : i32
      %get3A_774 = arith.index_cast %add3A_773 : i32 to index
      %get3A_775 = arith.constant 0 : index
      %get3A_776 = vector.load %arg6[%get3A_774, %get3A_775] : memref<1920x256xf32, #tpu.memory_space<vmem>>, vector<1x256xf32>
      %mul3A_777 = vector.broadcast %get3A_776 : vector<1x256xf32> to vector<60x256xf32>
      %mul3A_778 = arith.mulf %mul3A_777, %get3A_761 : vector<60x256xf32>
      %add3A_779 = arith.addf %add3A_758, %mul3A_778 : vector<60x256xf32>
      %get3A_780 = arith.constant 540 : index
      %get3A_781 = arith.constant 0 : index
      %get3A_782 = vector.load %arg7[%get3A_780, %get3A_781] : memref<1920x256xf32, #tpu.memory_space<vmem>>, vector<60x256xf32>
      %add3A_783 = arith.constant 540 : i32
      %add3A_784 = arith.addi %add3A_783, %mul3A_587 : i32
      %get3A_785 = arith.index_cast %add3A_784 : i32 to index
      %get3A_786 = arith.constant 0 : index
      %get3A_787 = vector.load %arg6[%get3A_785, %get3A_786] : memref<1920x256xf32, #tpu.memory_space<vmem>>, vector<1x256xf32>
      %mul3A_788 = vector.broadcast %get3A_787 : vector<1x256xf32> to vector<60x256xf32>
      %mul3A_789 = arith.mulf %mul3A_788, %get3A_782 : vector<60x256xf32>
      %add3A_790 = arith.addf %add3A_769, %mul3A_789 : vector<60x256xf32>
      %add3A_791 = arith.constant 540 : i32
      %add3A_792 = arith.addi %add3A_791, %mul3A_587 : i32
      %add3A_793 = arith.constant 1 : i32
      %add3A_794 = arith.addi %add3A_792, %add3A_793 : i32
      %get3A_795 = arith.index_cast %add3A_794 : i32 to index
      %get3A_796 = arith.constant 0 : index
      %get3A_797 = vector.load %arg6[%get3A_795, %get3A_796] : memref<1920x256xf32, #tpu.memory_space<vmem>>, vector<1x256xf32>
      %mul3A_798 = vector.broadcast %get3A_797 : vector<1x256xf32> to vector<60x256xf32>
      %mul3A_799 = arith.mulf %mul3A_798, %get3A_782 : vector<60x256xf32>
      %add3A_800 = arith.addf %add3A_779, %mul3A_799 : vector<60x256xf32>
      %get3A_801 = arith.constant 600 : index
      %get3A_802 = arith.constant 0 : index
      %get3A_803 = vector.load %arg7[%get3A_801, %get3A_802] : memref<1920x256xf32, #tpu.memory_space<vmem>>, vector<60x256xf32>
      %add3A_804 = arith.constant 600 : i32
      %add3A_805 = arith.addi %add3A_804, %mul3A_587 : i32
      %get3A_806 = arith.index_cast %add3A_805 : i32 to index
      %get3A_807 = arith.constant 0 : index
      %get3A_808 = vector.load %arg6[%get3A_806, %get3A_807] : memref<1920x256xf32, #tpu.memory_space<vmem>>, vector<1x256xf32>
      %mul3A_809 = vector.broadcast %get3A_808 : vector<1x256xf32> to vector<60x256xf32>
      %mul3A_810 = arith.mulf %mul3A_809, %get3A_803 : vector<60x256xf32>
      %add3A_811 = arith.addf %add3A_790, %mul3A_810 : vector<60x256xf32>
      %add3A_812 = arith.constant 600 : i32
      %add3A_813 = arith.addi %add3A_812, %mul3A_587 : i32
      %add3A_814 = arith.constant 1 : i32
      %add3A_815 = arith.addi %add3A_813, %add3A_814 : i32
      %get3A_816 = arith.index_cast %add3A_815 : i32 to index
      %get3A_817 = arith.constant 0 : index
      %get3A_818 = vector.load %arg6[%get3A_816, %get3A_817] : memref<1920x256xf32, #tpu.memory_space<vmem>>, vector<1x256xf32>
      %mul3A_819 = vector.broadcast %get3A_818 : vector<1x256xf32> to vector<60x256xf32>
      %mul3A_820 = arith.mulf %mul3A_819, %get3A_803 : vector<60x256xf32>
      %add3A_821 = arith.addf %add3A_800, %mul3A_820 : vector<60x256xf32>
      %get3A_822 = arith.constant 660 : index
      %get3A_823 = arith.constant 0 : index
      %get3A_824 = vector.load %arg7[%get3A_822, %get3A_823] : memref<1920x256xf32, #tpu.memory_space<vmem>>, vector<60x256xf32>
      %add3A_825 = arith.constant 660 : i32
      %add3A_826 = arith.addi %add3A_825, %mul3A_587 : i32
      %get3A_827 = arith.index_cast %add3A_826 : i32 to index
      %get3A_828 = arith.constant 0 : index
      %get3A_829 = vector.load %arg6[%get3A_827, %get3A_828] : memref<1920x256xf32, #tpu.memory_space<vmem>>, vector<1x256xf32>
      %mul3A_830 = vector.broadcast %get3A_829 : vector<1x256xf32> to vector<60x256xf32>
      %mul3A_831 = arith.mulf %mul3A_830, %get3A_824 : vector<60x256xf32>
      %add3A_832 = arith.addf %add3A_811, %mul3A_831 : vector<60x256xf32>
      %add3A_833 = arith.constant 660 : i32
      %add3A_834 = arith.addi %add3A_833, %mul3A_587 : i32
      %add3A_835 = arith.constant 1 : i32
      %add3A_836 = arith.addi %add3A_834, %add3A_835 : i32
      %get3A_837 = arith.index_cast %add3A_836 : i32 to index
      %get3A_838 = arith.constant 0 : index
      %get3A_839 = vector.load %arg6[%get3A_837, %get3A_838] : memref<1920x256xf32, #tpu.memory_space<vmem>>, vector<1x256xf32>
      %mul3A_840 = vector.broadcast %get3A_839 : vector<1x256xf32> to vector<60x256xf32>
      %mul3A_841 = arith.mulf %mul3A_840, %get3A_824 : vector<60x256xf32>
      %add3A_842 = arith.addf %add3A_821, %mul3A_841 : vector<60x256xf32>
      %get3A_843 = arith.constant 720 : index
      %get3A_844 = arith.constant 0 : index
      %get3A_845 = vector.load %arg7[%get3A_843, %get3A_844] : memref<1920x256xf32, #tpu.memory_space<vmem>>, vector<60x256xf32>
      %add3A_846 = arith.constant 720 : i32
      %add3A_847 = arith.addi %add3A_846, %mul3A_587 : i32
      %get3A_848 = arith.index_cast %add3A_847 : i32 to index
      %get3A_849 = arith.constant 0 : index
      %get3A_850 = vector.load %arg6[%get3A_848, %get3A_849] : memref<1920x256xf32, #tpu.memory_space<vmem>>, vector<1x256xf32>
      %mul3A_851 = vector.broadcast %get3A_850 : vector<1x256xf32> to vector<60x256xf32>
      %mul3A_852 = arith.mulf %mul3A_851, %get3A_845 : vector<60x256xf32>
      %add3A_853 = arith.addf %add3A_832, %mul3A_852 : vector<60x256xf32>
      %add3A_854 = arith.constant 720 : i32
      %add3A_855 = arith.addi %add3A_854, %mul3A_587 : i32
      %add3A_856 = arith.constant 1 : i32
      %add3A_857 = arith.addi %add3A_855, %add3A_856 : i32
      %get3A_858 = arith.index_cast %add3A_857 : i32 to index
      %get3A_859 = arith.constant 0 : index
      %get3A_860 = vector.load %arg6[%get3A_858, %get3A_859] : memref<1920x256xf32, #tpu.memory_space<vmem>>, vector<1x256xf32>
      %mul3A_861 = vector.broadcast %get3A_860 : vector<1x256xf32> to vector<60x256xf32>
      %mul3A_862 = arith.mulf %mul3A_861, %get3A_845 : vector<60x256xf32>
      %add3A_863 = arith.addf %add3A_842, %mul3A_862 : vector<60x256xf32>
      %get3A_864 = arith.constant 780 : index
      %get3A_865 = arith.constant 0 : index
      %get3A_866 = vector.load %arg7[%get3A_864, %get3A_865] : memref<1920x256xf32, #tpu.memory_space<vmem>>, vector<60x256xf32>
      %add3A_867 = arith.constant 780 : i32
      %add3A_868 = arith.addi %add3A_867, %mul3A_587 : i32
      %get3A_869 = arith.index_cast %add3A_868 : i32 to index
      %get3A_870 = arith.constant 0 : index
      %get3A_871 = vector.load %arg6[%get3A_869, %get3A_870] : memref<1920x256xf32, #tpu.memory_space<vmem>>, vector<1x256xf32>
      %mul3A_872 = vector.broadcast %get3A_871 : vector<1x256xf32> to vector<60x256xf32>
      %mul3A_873 = arith.mulf %mul3A_872, %get3A_866 : vector<60x256xf32>
      %add3A_874 = arith.addf %add3A_853, %mul3A_873 : vector<60x256xf32>
      %add3A_875 = arith.constant 780 : i32
      %add3A_876 = arith.addi %add3A_875, %mul3A_587 : i32
      %add3A_877 = arith.constant 1 : i32
      %add3A_878 = arith.addi %add3A_876, %add3A_877 : i32
      %get3A_879 = arith.index_cast %add3A_878 : i32 to index
      %get3A_880 = arith.constant 0 : index
      %get3A_881 = vector.load %arg6[%get3A_879, %get3A_880] : memref<1920x256xf32, #tpu.memory_space<vmem>>, vector<1x256xf32>
      %mul3A_882 = vector.broadcast %get3A_881 : vector<1x256xf32> to vector<60x256xf32>
      %mul3A_883 = arith.mulf %mul3A_882, %get3A_866 : vector<60x256xf32>
      %add3A_884 = arith.addf %add3A_863, %mul3A_883 : vector<60x256xf32>
      %get3A_885 = arith.constant 840 : index
      %get3A_886 = arith.constant 0 : index
      %get3A_887 = vector.load %arg7[%get3A_885, %get3A_886] : memref<1920x256xf32, #tpu.memory_space<vmem>>, vector<60x256xf32>
      %add3A_888 = arith.constant 840 : i32
      %add3A_889 = arith.addi %add3A_888, %mul3A_587 : i32
      %get3A_890 = arith.index_cast %add3A_889 : i32 to index
      %get3A_891 = arith.constant 0 : index
      %get3A_892 = vector.load %arg6[%get3A_890, %get3A_891] : memref<1920x256xf32, #tpu.memory_space<vmem>>, vector<1x256xf32>
      %mul3A_893 = vector.broadcast %get3A_892 : vector<1x256xf32> to vector<60x256xf32>
      %mul3A_894 = arith.mulf %mul3A_893, %get3A_887 : vector<60x256xf32>
      %add3A_895 = arith.addf %add3A_874, %mul3A_894 : vector<60x256xf32>
      %add3A_896 = arith.constant 840 : i32
      %add3A_897 = arith.addi %add3A_896, %mul3A_587 : i32
      %add3A_898 = arith.constant 1 : i32
      %add3A_899 = arith.addi %add3A_897, %add3A_898 : i32
      %get3A_900 = arith.index_cast %add3A_899 : i32 to index
      %get3A_901 = arith.constant 0 : index
      %get3A_902 = vector.load %arg6[%get3A_900, %get3A_901] : memref<1920x256xf32, #tpu.memory_space<vmem>>, vector<1x256xf32>
      %mul3A_903 = vector.broadcast %get3A_902 : vector<1x256xf32> to vector<60x256xf32>
      %mul3A_904 = arith.mulf %mul3A_903, %get3A_887 : vector<60x256xf32>
      %add3A_905 = arith.addf %add3A_884, %mul3A_904 : vector<60x256xf32>
      %get3A_906 = arith.constant 900 : index
      %get3A_907 = arith.constant 0 : index
      %get3A_908 = vector.load %arg7[%get3A_906, %get3A_907] : memref<1920x256xf32, #tpu.memory_space<vmem>>, vector<60x256xf32>
      %add3A_909 = arith.constant 900 : i32
      %add3A_910 = arith.addi %add3A_909, %mul3A_587 : i32
      %get3A_911 = arith.index_cast %add3A_910 : i32 to index
      %get3A_912 = arith.constant 0 : index
      %get3A_913 = vector.load %arg6[%get3A_911, %get3A_912] : memref<1920x256xf32, #tpu.memory_space<vmem>>, vector<1x256xf32>
      %mul3A_914 = vector.broadcast %get3A_913 : vector<1x256xf32> to vector<60x256xf32>
      %mul3A_915 = arith.mulf %mul3A_914, %get3A_908 : vector<60x256xf32>
      %add3A_916 = arith.addf %add3A_895, %mul3A_915 : vector<60x256xf32>
      %add3A_917 = arith.constant 900 : i32
      %add3A_918 = arith.addi %add3A_917, %mul3A_587 : i32
      %add3A_919 = arith.constant 1 : i32
      %add3A_920 = arith.addi %add3A_918, %add3A_919 : i32
      %get3A_921 = arith.index_cast %add3A_920 : i32 to index
      %get3A_922 = arith.constant 0 : index
      %get3A_923 = vector.load %arg6[%get3A_921, %get3A_922] : memref<1920x256xf32, #tpu.memory_space<vmem>>, vector<1x256xf32>
      %mul3A_924 = vector.broadcast %get3A_923 : vector<1x256xf32> to vector<60x256xf32>
      %mul3A_925 = arith.mulf %mul3A_924, %get3A_908 : vector<60x256xf32>
      %add3A_926 = arith.addf %add3A_905, %mul3A_925 : vector<60x256xf32>
      %get3A_927 = arith.constant 960 : index
      %get3A_928 = arith.constant 0 : index
      %get3A_929 = vector.load %arg7[%get3A_927, %get3A_928] : memref<1920x256xf32, #tpu.memory_space<vmem>>, vector<60x256xf32>
      %add3A_930 = arith.constant 960 : i32
      %add3A_931 = arith.addi %add3A_930, %mul3A_587 : i32
      %get3A_932 = arith.index_cast %add3A_931 : i32 to index
      %get3A_933 = arith.constant 0 : index
      %get3A_934 = vector.load %arg6[%get3A_932, %get3A_933] : memref<1920x256xf32, #tpu.memory_space<vmem>>, vector<1x256xf32>
      %mul3A_935 = vector.broadcast %get3A_934 : vector<1x256xf32> to vector<60x256xf32>
      %mul3A_936 = arith.mulf %mul3A_935, %get3A_929 : vector<60x256xf32>
      %add3A_937 = arith.addf %add3A_916, %mul3A_936 : vector<60x256xf32>
      %add3A_938 = arith.constant 960 : i32
      %add3A_939 = arith.addi %add3A_938, %mul3A_587 : i32
      %add3A_940 = arith.constant 1 : i32
      %add3A_941 = arith.addi %add3A_939, %add3A_940 : i32
      %get3A_942 = arith.index_cast %add3A_941 : i32 to index
      %get3A_943 = arith.constant 0 : index
      %get3A_944 = vector.load %arg6[%get3A_942, %get3A_943] : memref<1920x256xf32, #tpu.memory_space<vmem>>, vector<1x256xf32>
      %mul3A_945 = vector.broadcast %get3A_944 : vector<1x256xf32> to vector<60x256xf32>
      %mul3A_946 = arith.mulf %mul3A_945, %get3A_929 : vector<60x256xf32>
      %add3A_947 = arith.addf %add3A_926, %mul3A_946 : vector<60x256xf32>
      %get3A_948 = arith.constant 1020 : index
      %get3A_949 = arith.constant 0 : index
      %get3A_950 = vector.load %arg7[%get3A_948, %get3A_949] : memref<1920x256xf32, #tpu.memory_space<vmem>>, vector<60x256xf32>
      %add3A_951 = arith.constant 1020 : i32
      %add3A_952 = arith.addi %add3A_951, %mul3A_587 : i32
      %get3A_953 = arith.index_cast %add3A_952 : i32 to index
      %get3A_954 = arith.constant 0 : index
      %get3A_955 = vector.load %arg6[%get3A_953, %get3A_954] : memref<1920x256xf32, #tpu.memory_space<vmem>>, vector<1x256xf32>
      %mul3A_956 = vector.broadcast %get3A_955 : vector<1x256xf32> to vector<60x256xf32>
      %mul3A_957 = arith.mulf %mul3A_956, %get3A_950 : vector<60x256xf32>
      %add3A_958 = arith.addf %add3A_937, %mul3A_957 : vector<60x256xf32>
      %add3A_959 = arith.constant 1020 : i32
      %add3A_960 = arith.addi %add3A_959, %mul3A_587 : i32
      %add3A_961 = arith.constant 1 : i32
      %add3A_962 = arith.addi %add3A_960, %add3A_961 : i32
      %get3A_963 = arith.index_cast %add3A_962 : i32 to index
      %get3A_964 = arith.constant 0 : index
      %get3A_965 = vector.load %arg6[%get3A_963, %get3A_964] : memref<1920x256xf32, #tpu.memory_space<vmem>>, vector<1x256xf32>
      %mul3A_966 = vector.broadcast %get3A_965 : vector<1x256xf32> to vector<60x256xf32>
      %mul3A_967 = arith.mulf %mul3A_966, %get3A_950 : vector<60x256xf32>
      %add3A_968 = arith.addf %add3A_947, %mul3A_967 : vector<60x256xf32>
      %get3A_969 = arith.constant 1080 : index
      %get3A_970 = arith.constant 0 : index
      %get3A_971 = vector.load %arg7[%get3A_969, %get3A_970] : memref<1920x256xf32, #tpu.memory_space<vmem>>, vector<60x256xf32>
      %add3A_972 = arith.constant 1080 : i32
      %add3A_973 = arith.addi %add3A_972, %mul3A_587 : i32
      %get3A_974 = arith.index_cast %add3A_973 : i32 to index
      %get3A_975 = arith.constant 0 : index
      %get3A_976 = vector.load %arg6[%get3A_974, %get3A_975] : memref<1920x256xf32, #tpu.memory_space<vmem>>, vector<1x256xf32>
      %mul3A_977 = vector.broadcast %get3A_976 : vector<1x256xf32> to vector<60x256xf32>
      %mul3A_978 = arith.mulf %mul3A_977, %get3A_971 : vector<60x256xf32>
      %add3A_979 = arith.addf %add3A_958, %mul3A_978 : vector<60x256xf32>
      %add3A_980 = arith.constant 1080 : i32
      %add3A_981 = arith.addi %add3A_980, %mul3A_587 : i32
      %add3A_982 = arith.constant 1 : i32
      %add3A_983 = arith.addi %add3A_981, %add3A_982 : i32
      %get3A_984 = arith.index_cast %add3A_983 : i32 to index
      %get3A_985 = arith.constant 0 : index
      %get3A_986 = vector.load %arg6[%get3A_984, %get3A_985] : memref<1920x256xf32, #tpu.memory_space<vmem>>, vector<1x256xf32>
      %mul3A_987 = vector.broadcast %get3A_986 : vector<1x256xf32> to vector<60x256xf32>
      %mul3A_988 = arith.mulf %mul3A_987, %get3A_971 : vector<60x256xf32>
      %add3A_989 = arith.addf %add3A_968, %mul3A_988 : vector<60x256xf32>
      %get3A_990 = arith.constant 1140 : index
      %get3A_991 = arith.constant 0 : index
      %get3A_992 = vector.load %arg7[%get3A_990, %get3A_991] : memref<1920x256xf32, #tpu.memory_space<vmem>>, vector<60x256xf32>
      %add3A_993 = arith.constant 1140 : i32
      %add3A_994 = arith.addi %add3A_993, %mul3A_587 : i32
      %get3A_995 = arith.index_cast %add3A_994 : i32 to index
      %get3A_996 = arith.constant 0 : index
      %get3A_997 = vector.load %arg6[%get3A_995, %get3A_996] : memref<1920x256xf32, #tpu.memory_space<vmem>>, vector<1x256xf32>
      %mul3A_998 = vector.broadcast %get3A_997 : vector<1x256xf32> to vector<60x256xf32>
      %mul3A_999 = arith.mulf %mul3A_998, %get3A_992 : vector<60x256xf32>
      %add3A_1000 = arith.addf %add3A_979, %mul3A_999 : vector<60x256xf32>
      %add3A_1001 = arith.constant 1140 : i32
      %add3A_1002 = arith.addi %add3A_1001, %mul3A_587 : i32
      %add3A_1003 = arith.constant 1 : i32
      %add3A_1004 = arith.addi %add3A_1002, %add3A_1003 : i32
      %get3A_1005 = arith.index_cast %add3A_1004 : i32 to index
      %get3A_1006 = arith.constant 0 : index
      %get3A_1007 = vector.load %arg6[%get3A_1005, %get3A_1006] : memref<1920x256xf32, #tpu.memory_space<vmem>>, vector<1x256xf32>
      %mul3A_1008 = vector.broadcast %get3A_1007 : vector<1x256xf32> to vector<60x256xf32>
      %mul3A_1009 = arith.mulf %mul3A_1008, %get3A_992 : vector<60x256xf32>
      %add3A_1010 = arith.addf %add3A_989, %mul3A_1009 : vector<60x256xf32>
      %get3A_1011 = arith.constant 1200 : index
      %get3A_1012 = arith.constant 0 : index
      %get3A_1013 = vector.load %arg7[%get3A_1011, %get3A_1012] : memref<1920x256xf32, #tpu.memory_space<vmem>>, vector<60x256xf32>
      %add3A_1014 = arith.constant 1200 : i32
      %add3A_1015 = arith.addi %add3A_1014, %mul3A_587 : i32
      %get3A_1016 = arith.index_cast %add3A_1015 : i32 to index
      %get3A_1017 = arith.constant 0 : index
      %get3A_1018 = vector.load %arg6[%get3A_1016, %get3A_1017] : memref<1920x256xf32, #tpu.memory_space<vmem>>, vector<1x256xf32>
      %mul3A_1019 = vector.broadcast %get3A_1018 : vector<1x256xf32> to vector<60x256xf32>
      %mul3A_1020 = arith.mulf %mul3A_1019, %get3A_1013 : vector<60x256xf32>
      %add3A_1021 = arith.addf %add3A_1000, %mul3A_1020 : vector<60x256xf32>
      %add3A_1022 = arith.constant 1200 : i32
      %add3A_1023 = arith.addi %add3A_1022, %mul3A_587 : i32
      %add3A_1024 = arith.constant 1 : i32
      %add3A_1025 = arith.addi %add3A_1023, %add3A_1024 : i32
      %get3A_1026 = arith.index_cast %add3A_1025 : i32 to index
      %get3A_1027 = arith.constant 0 : index
      %get3A_1028 = vector.load %arg6[%get3A_1026, %get3A_1027] : memref<1920x256xf32, #tpu.memory_space<vmem>>, vector<1x256xf32>
      %mul3A_1029 = vector.broadcast %get3A_1028 : vector<1x256xf32> to vector<60x256xf32>
      %mul3A_1030 = arith.mulf %mul3A_1029, %get3A_1013 : vector<60x256xf32>
      %add3A_1031 = arith.addf %add3A_1010, %mul3A_1030 : vector<60x256xf32>
      %get3A_1032 = arith.constant 1260 : index
      %get3A_1033 = arith.constant 0 : index
      %get3A_1034 = vector.load %arg7[%get3A_1032, %get3A_1033] : memref<1920x256xf32, #tpu.memory_space<vmem>>, vector<60x256xf32>
      %add3A_1035 = arith.constant 1260 : i32
      %add3A_1036 = arith.addi %add3A_1035, %mul3A_587 : i32
      %get3A_1037 = arith.index_cast %add3A_1036 : i32 to index
      %get3A_1038 = arith.constant 0 : index
      %get3A_1039 = vector.load %arg6[%get3A_1037, %get3A_1038] : memref<1920x256xf32, #tpu.memory_space<vmem>>, vector<1x256xf32>
      %mul3A_1040 = vector.broadcast %get3A_1039 : vector<1x256xf32> to vector<60x256xf32>
      %mul3A_1041 = arith.mulf %mul3A_1040, %get3A_1034 : vector<60x256xf32>
      %add3A_1042 = arith.addf %add3A_1021, %mul3A_1041 : vector<60x256xf32>
      %add3A_1043 = arith.constant 1260 : i32
      %add3A_1044 = arith.addi %add3A_1043, %mul3A_587 : i32
      %add3A_1045 = arith.constant 1 : i32
      %add3A_1046 = arith.addi %add3A_1044, %add3A_1045 : i32
      %get3A_1047 = arith.index_cast %add3A_1046 : i32 to index
      %get3A_1048 = arith.constant 0 : index
      %get3A_1049 = vector.load %arg6[%get3A_1047, %get3A_1048] : memref<1920x256xf32, #tpu.memory_space<vmem>>, vector<1x256xf32>
      %mul3A_1050 = vector.broadcast %get3A_1049 : vector<1x256xf32> to vector<60x256xf32>
      %mul3A_1051 = arith.mulf %mul3A_1050, %get3A_1034 : vector<60x256xf32>
      %add3A_1052 = arith.addf %add3A_1031, %mul3A_1051 : vector<60x256xf32>
      %get3A_1053 = arith.constant 1320 : index
      %get3A_1054 = arith.constant 0 : index
      %get3A_1055 = vector.load %arg7[%get3A_1053, %get3A_1054] : memref<1920x256xf32, #tpu.memory_space<vmem>>, vector<60x256xf32>
      %add3A_1056 = arith.constant 1320 : i32
      %add3A_1057 = arith.addi %add3A_1056, %mul3A_587 : i32
      %get3A_1058 = arith.index_cast %add3A_1057 : i32 to index
      %get3A_1059 = arith.constant 0 : index
      %get3A_1060 = vector.load %arg6[%get3A_1058, %get3A_1059] : memref<1920x256xf32, #tpu.memory_space<vmem>>, vector<1x256xf32>
      %mul3A_1061 = vector.broadcast %get3A_1060 : vector<1x256xf32> to vector<60x256xf32>
      %mul3A_1062 = arith.mulf %mul3A_1061, %get3A_1055 : vector<60x256xf32>
      %add3A_1063 = arith.addf %add3A_1042, %mul3A_1062 : vector<60x256xf32>
      %add3A_1064 = arith.constant 1320 : i32
      %add3A_1065 = arith.addi %add3A_1064, %mul3A_587 : i32
      %add3A_1066 = arith.constant 1 : i32
      %add3A_1067 = arith.addi %add3A_1065, %add3A_1066 : i32
      %get3A_1068 = arith.index_cast %add3A_1067 : i32 to index
      %get3A_1069 = arith.constant 0 : index
      %get3A_1070 = vector.load %arg6[%get3A_1068, %get3A_1069] : memref<1920x256xf32, #tpu.memory_space<vmem>>, vector<1x256xf32>
      %mul3A_1071 = vector.broadcast %get3A_1070 : vector<1x256xf32> to vector<60x256xf32>
      %mul3A_1072 = arith.mulf %mul3A_1071, %get3A_1055 : vector<60x256xf32>
      %add3A_1073 = arith.addf %add3A_1052, %mul3A_1072 : vector<60x256xf32>
      %get3A_1074 = arith.constant 1380 : index
      %get3A_1075 = arith.constant 0 : index
      %get3A_1076 = vector.load %arg7[%get3A_1074, %get3A_1075] : memref<1920x256xf32, #tpu.memory_space<vmem>>, vector<60x256xf32>
      %add3A_1077 = arith.constant 1380 : i32
      %add3A_1078 = arith.addi %add3A_1077, %mul3A_587 : i32
      %get3A_1079 = arith.index_cast %add3A_1078 : i32 to index
      %get3A_1080 = arith.constant 0 : index
      %get3A_1081 = vector.load %arg6[%get3A_1079, %get3A_1080] : memref<1920x256xf32, #tpu.memory_space<vmem>>, vector<1x256xf32>
      %mul3A_1082 = vector.broadcast %get3A_1081 : vector<1x256xf32> to vector<60x256xf32>
      %mul3A_1083 = arith.mulf %mul3A_1082, %get3A_1076 : vector<60x256xf32>
      %add3A_1084 = arith.addf %add3A_1063, %mul3A_1083 : vector<60x256xf32>
      %add3A_1085 = arith.constant 1380 : i32
      %add3A_1086 = arith.addi %add3A_1085, %mul3A_587 : i32
      %add3A_1087 = arith.constant 1 : i32
      %add3A_1088 = arith.addi %add3A_1086, %add3A_1087 : i32
      %get3A_1089 = arith.index_cast %add3A_1088 : i32 to index
      %get3A_1090 = arith.constant 0 : index
      %get3A_1091 = vector.load %arg6[%get3A_1089, %get3A_1090] : memref<1920x256xf32, #tpu.memory_space<vmem>>, vector<1x256xf32>
      %mul3A_1092 = vector.broadcast %get3A_1091 : vector<1x256xf32> to vector<60x256xf32>
      %mul3A_1093 = arith.mulf %mul3A_1092, %get3A_1076 : vector<60x256xf32>
      %add3A_1094 = arith.addf %add3A_1073, %mul3A_1093 : vector<60x256xf32>
      %get3A_1095 = arith.constant 1440 : index
      %get3A_1096 = arith.constant 0 : index
      %get3A_1097 = vector.load %arg7[%get3A_1095, %get3A_1096] : memref<1920x256xf32, #tpu.memory_space<vmem>>, vector<60x256xf32>
      %add3A_1098 = arith.constant 1440 : i32
      %add3A_1099 = arith.addi %add3A_1098, %mul3A_587 : i32
      %get3A_1100 = arith.index_cast %add3A_1099 : i32 to index
      %get3A_1101 = arith.constant 0 : index
      %get3A_1102 = vector.load %arg6[%get3A_1100, %get3A_1101] : memref<1920x256xf32, #tpu.memory_space<vmem>>, vector<1x256xf32>
      %mul3A_1103 = vector.broadcast %get3A_1102 : vector<1x256xf32> to vector<60x256xf32>
      %mul3A_1104 = arith.mulf %mul3A_1103, %get3A_1097 : vector<60x256xf32>
      %add3A_1105 = arith.addf %add3A_1084, %mul3A_1104 : vector<60x256xf32>
      %add3A_1106 = arith.constant 1440 : i32
      %add3A_1107 = arith.addi %add3A_1106, %mul3A_587 : i32
      %add3A_1108 = arith.constant 1 : i32
      %add3A_1109 = arith.addi %add3A_1107, %add3A_1108 : i32
      %get3A_1110 = arith.index_cast %add3A_1109 : i32 to index
      %get3A_1111 = arith.constant 0 : index
      %get3A_1112 = vector.load %arg6[%get3A_1110, %get3A_1111] : memref<1920x256xf32, #tpu.memory_space<vmem>>, vector<1x256xf32>
      %mul3A_1113 = vector.broadcast %get3A_1112 : vector<1x256xf32> to vector<60x256xf32>
      %mul3A_1114 = arith.mulf %mul3A_1113, %get3A_1097 : vector<60x256xf32>
      %add3A_1115 = arith.addf %add3A_1094, %mul3A_1114 : vector<60x256xf32>
      %get3A_1116 = arith.constant 1500 : index
      %get3A_1117 = arith.constant 0 : index
      %get3A_1118 = vector.load %arg7[%get3A_1116, %get3A_1117] : memref<1920x256xf32, #tpu.memory_space<vmem>>, vector<60x256xf32>
      %add3A_1119 = arith.constant 1500 : i32
      %add3A_1120 = arith.addi %add3A_1119, %mul3A_587 : i32
      %get3A_1121 = arith.index_cast %add3A_1120 : i32 to index
      %get3A_1122 = arith.constant 0 : index
      %get3A_1123 = vector.load %arg6[%get3A_1121, %get3A_1122] : memref<1920x256xf32, #tpu.memory_space<vmem>>, vector<1x256xf32>
      %mul3A_1124 = vector.broadcast %get3A_1123 : vector<1x256xf32> to vector<60x256xf32>
      %mul3A_1125 = arith.mulf %mul3A_1124, %get3A_1118 : vector<60x256xf32>
      %add3A_1126 = arith.addf %add3A_1105, %mul3A_1125 : vector<60x256xf32>
      %add3A_1127 = arith.constant 1500 : i32
      %add3A_1128 = arith.addi %add3A_1127, %mul3A_587 : i32
      %add3A_1129 = arith.constant 1 : i32
      %add3A_1130 = arith.addi %add3A_1128, %add3A_1129 : i32
      %get3A_1131 = arith.index_cast %add3A_1130 : i32 to index
      %get3A_1132 = arith.constant 0 : index
      %get3A_1133 = vector.load %arg6[%get3A_1131, %get3A_1132] : memref<1920x256xf32, #tpu.memory_space<vmem>>, vector<1x256xf32>
      %mul3A_1134 = vector.broadcast %get3A_1133 : vector<1x256xf32> to vector<60x256xf32>
      %mul3A_1135 = arith.mulf %mul3A_1134, %get3A_1118 : vector<60x256xf32>
      %add3A_1136 = arith.addf %add3A_1115, %mul3A_1135 : vector<60x256xf32>
      %get3A_1137 = arith.constant 1560 : index
      %get3A_1138 = arith.constant 0 : index
      %get3A_1139 = vector.load %arg7[%get3A_1137, %get3A_1138] : memref<1920x256xf32, #tpu.memory_space<vmem>>, vector<60x256xf32>
      %add3A_1140 = arith.constant 1560 : i32
      %add3A_1141 = arith.addi %add3A_1140, %mul3A_587 : i32
      %get3A_1142 = arith.index_cast %add3A_1141 : i32 to index
      %get3A_1143 = arith.constant 0 : index
      %get3A_1144 = vector.load %arg6[%get3A_1142, %get3A_1143] : memref<1920x256xf32, #tpu.memory_space<vmem>>, vector<1x256xf32>
      %mul3A_1145 = vector.broadcast %get3A_1144 : vector<1x256xf32> to vector<60x256xf32>
      %mul3A_1146 = arith.mulf %mul3A_1145, %get3A_1139 : vector<60x256xf32>
      %add3A_1147 = arith.addf %add3A_1126, %mul3A_1146 : vector<60x256xf32>
      %add3A_1148 = arith.constant 1560 : i32
      %add3A_1149 = arith.addi %add3A_1148, %mul3A_587 : i32
      %add3A_1150 = arith.constant 1 : i32
      %add3A_1151 = arith.addi %add3A_1149, %add3A_1150 : i32
      %get3A_1152 = arith.index_cast %add3A_1151 : i32 to index
      %get3A_1153 = arith.constant 0 : index
      %get3A_1154 = vector.load %arg6[%get3A_1152, %get3A_1153] : memref<1920x256xf32, #tpu.memory_space<vmem>>, vector<1x256xf32>
      %mul3A_1155 = vector.broadcast %get3A_1154 : vector<1x256xf32> to vector<60x256xf32>
      %mul3A_1156 = arith.mulf %mul3A_1155, %get3A_1139 : vector<60x256xf32>
      %add3A_1157 = arith.addf %add3A_1136, %mul3A_1156 : vector<60x256xf32>
      %get3A_1158 = arith.constant 1620 : index
      %get3A_1159 = arith.constant 0 : index
      %get3A_1160 = vector.load %arg7[%get3A_1158, %get3A_1159] : memref<1920x256xf32, #tpu.memory_space<vmem>>, vector<60x256xf32>
      %add3A_1161 = arith.constant 1620 : i32
      %add3A_1162 = arith.addi %add3A_1161, %mul3A_587 : i32
      %get3A_1163 = arith.index_cast %add3A_1162 : i32 to index
      %get3A_1164 = arith.constant 0 : index
      %get3A_1165 = vector.load %arg6[%get3A_1163, %get3A_1164] : memref<1920x256xf32, #tpu.memory_space<vmem>>, vector<1x256xf32>
      %mul3A_1166 = vector.broadcast %get3A_1165 : vector<1x256xf32> to vector<60x256xf32>
      %mul3A_1167 = arith.mulf %mul3A_1166, %get3A_1160 : vector<60x256xf32>
      %add3A_1168 = arith.addf %add3A_1147, %mul3A_1167 : vector<60x256xf32>
      %add3A_1169 = arith.constant 1620 : i32
      %add3A_1170 = arith.addi %add3A_1169, %mul3A_587 : i32
      %add3A_1171 = arith.constant 1 : i32
      %add3A_1172 = arith.addi %add3A_1170, %add3A_1171 : i32
      %get3A_1173 = arith.index_cast %add3A_1172 : i32 to index
      %get3A_1174 = arith.constant 0 : index
      %get3A_1175 = vector.load %arg6[%get3A_1173, %get3A_1174] : memref<1920x256xf32, #tpu.memory_space<vmem>>, vector<1x256xf32>
      %mul3A_1176 = vector.broadcast %get3A_1175 : vector<1x256xf32> to vector<60x256xf32>
      %mul3A_1177 = arith.mulf %mul3A_1176, %get3A_1160 : vector<60x256xf32>
      %add3A_1178 = arith.addf %add3A_1157, %mul3A_1177 : vector<60x256xf32>
      %get3A_1179 = arith.constant 1680 : index
      %get3A_1180 = arith.constant 0 : index
      %get3A_1181 = vector.load %arg7[%get3A_1179, %get3A_1180] : memref<1920x256xf32, #tpu.memory_space<vmem>>, vector<60x256xf32>
      %add3A_1182 = arith.constant 1680 : i32
      %add3A_1183 = arith.addi %add3A_1182, %mul3A_587 : i32
      %get3A_1184 = arith.index_cast %add3A_1183 : i32 to index
      %get3A_1185 = arith.constant 0 : index
      %get3A_1186 = vector.load %arg6[%get3A_1184, %get3A_1185] : memref<1920x256xf32, #tpu.memory_space<vmem>>, vector<1x256xf32>
      %mul3A_1187 = vector.broadcast %get3A_1186 : vector<1x256xf32> to vector<60x256xf32>
      %mul3A_1188 = arith.mulf %mul3A_1187, %get3A_1181 : vector<60x256xf32>
      %add3A_1189 = arith.addf %add3A_1168, %mul3A_1188 : vector<60x256xf32>
      %add3A_1190 = arith.constant 1680 : i32
      %add3A_1191 = arith.addi %add3A_1190, %mul3A_587 : i32
      %add3A_1192 = arith.constant 1 : i32
      %add3A_1193 = arith.addi %add3A_1191, %add3A_1192 : i32
      %get3A_1194 = arith.index_cast %add3A_1193 : i32 to index
      %get3A_1195 = arith.constant 0 : index
      %get3A_1196 = vector.load %arg6[%get3A_1194, %get3A_1195] : memref<1920x256xf32, #tpu.memory_space<vmem>>, vector<1x256xf32>
      %mul3A_1197 = vector.broadcast %get3A_1196 : vector<1x256xf32> to vector<60x256xf32>
      %mul3A_1198 = arith.mulf %mul3A_1197, %get3A_1181 : vector<60x256xf32>
      %add3A_1199 = arith.addf %add3A_1178, %mul3A_1198 : vector<60x256xf32>
      %get3A_1200 = arith.constant 1740 : index
      %get3A_1201 = arith.constant 0 : index
      %get3A_1202 = vector.load %arg7[%get3A_1200, %get3A_1201] : memref<1920x256xf32, #tpu.memory_space<vmem>>, vector<60x256xf32>
      %add3A_1203 = arith.constant 1740 : i32
      %add3A_1204 = arith.addi %add3A_1203, %mul3A_587 : i32
      %get3A_1205 = arith.index_cast %add3A_1204 : i32 to index
      %get3A_1206 = arith.constant 0 : index
      %get3A_1207 = vector.load %arg6[%get3A_1205, %get3A_1206] : memref<1920x256xf32, #tpu.memory_space<vmem>>, vector<1x256xf32>
      %mul3A_1208 = vector.broadcast %get3A_1207 : vector<1x256xf32> to vector<60x256xf32>
      %mul3A_1209 = arith.mulf %mul3A_1208, %get3A_1202 : vector<60x256xf32>
      %add3A_1210 = arith.addf %add3A_1189, %mul3A_1209 : vector<60x256xf32>
      %add3A_1211 = arith.constant 1740 : i32
      %add3A_1212 = arith.addi %add3A_1211, %mul3A_587 : i32
      %add3A_1213 = arith.constant 1 : i32
      %add3A_1214 = arith.addi %add3A_1212, %add3A_1213 : i32
      %get3A_1215 = arith.index_cast %add3A_1214 : i32 to index
      %get3A_1216 = arith.constant 0 : index
      %get3A_1217 = vector.load %arg6[%get3A_1215, %get3A_1216] : memref<1920x256xf32, #tpu.memory_space<vmem>>, vector<1x256xf32>
      %mul3A_1218 = vector.broadcast %get3A_1217 : vector<1x256xf32> to vector<60x256xf32>
      %mul3A_1219 = arith.mulf %mul3A_1218, %get3A_1202 : vector<60x256xf32>
      %add3A_1220 = arith.addf %add3A_1199, %mul3A_1219 : vector<60x256xf32>
      %get3A_1221 = arith.constant 1800 : index
      %get3A_1222 = arith.constant 0 : index
      %get3A_1223 = vector.load %arg7[%get3A_1221, %get3A_1222] : memref<1920x256xf32, #tpu.memory_space<vmem>>, vector<60x256xf32>
      %add3A_1224 = arith.constant 1800 : i32
      %add3A_1225 = arith.addi %add3A_1224, %mul3A_587 : i32
      %get3A_1226 = arith.index_cast %add3A_1225 : i32 to index
      %get3A_1227 = arith.constant 0 : index
      %get3A_1228 = vector.load %arg6[%get3A_1226, %get3A_1227] : memref<1920x256xf32, #tpu.memory_space<vmem>>, vector<1x256xf32>
      %mul3A_1229 = vector.broadcast %get3A_1228 : vector<1x256xf32> to vector<60x256xf32>
      %mul3A_1230 = arith.mulf %mul3A_1229, %get3A_1223 : vector<60x256xf32>
      %add3A_1231 = arith.addf %add3A_1210, %mul3A_1230 : vector<60x256xf32>
      %add3A_1232 = arith.constant 1800 : i32
      %add3A_1233 = arith.addi %add3A_1232, %mul3A_587 : i32
      %add3A_1234 = arith.constant 1 : i32
      %add3A_1235 = arith.addi %add3A_1233, %add3A_1234 : i32
      %get3A_1236 = arith.index_cast %add3A_1235 : i32 to index
      %get3A_1237 = arith.constant 0 : index
      %get3A_1238 = vector.load %arg6[%get3A_1236, %get3A_1237] : memref<1920x256xf32, #tpu.memory_space<vmem>>, vector<1x256xf32>
      %mul3A_1239 = vector.broadcast %get3A_1238 : vector<1x256xf32> to vector<60x256xf32>
      %mul3A_1240 = arith.mulf %mul3A_1239, %get3A_1223 : vector<60x256xf32>
      %add3A_1241 = arith.addf %add3A_1220, %mul3A_1240 : vector<60x256xf32>
      %get3A_1242 = arith.constant 1860 : index
      %get3A_1243 = arith.constant 0 : index
      %get3A_1244 = vector.load %arg7[%get3A_1242, %get3A_1243] : memref<1920x256xf32, #tpu.memory_space<vmem>>, vector<60x256xf32>
      %add3A_1245 = arith.constant 1860 : i32
      %add3A_1246 = arith.addi %add3A_1245, %mul3A_587 : i32
      %get3A_1247 = arith.index_cast %add3A_1246 : i32 to index
      %get3A_1248 = arith.constant 0 : index
      %get3A_1249 = vector.load %arg6[%get3A_1247, %get3A_1248] : memref<1920x256xf32, #tpu.memory_space<vmem>>, vector<1x256xf32>
      %mul3A_1250 = vector.broadcast %get3A_1249 : vector<1x256xf32> to vector<60x256xf32>
      %mul3A_1251 = arith.mulf %mul3A_1250, %get3A_1244 : vector<60x256xf32>
      %add3A_1252 = arith.addf %add3A_1231, %mul3A_1251 : vector<60x256xf32>
      %add3A_1253 = arith.constant 1860 : i32
      %add3A_1254 = arith.addi %add3A_1253, %mul3A_587 : i32
      %add3A_1255 = arith.constant 1 : i32
      %add3A_1256 = arith.addi %add3A_1254, %add3A_1255 : i32
      %get3A_1257 = arith.index_cast %add3A_1256 : i32 to index
      %get3A_1258 = arith.constant 0 : index
      %get3A_1259 = vector.load %arg6[%get3A_1257, %get3A_1258] : memref<1920x256xf32, #tpu.memory_space<vmem>>, vector<1x256xf32>
      %mul3A_1260 = vector.broadcast %get3A_1259 : vector<1x256xf32> to vector<60x256xf32>
      %mul3A_1261 = arith.mulf %mul3A_1260, %get3A_1244 : vector<60x256xf32>
      %add3A_1262 = arith.addf %add3A_1241, %mul3A_1261 : vector<60x256xf32>
      %get3A_1263 = arith.index_cast %mul3A_587 : i32 to index
      %get3A_1264 = arith.constant 0 : index
      %get3A_1265 = arith.constant 0 : index
      %get3A_1266 = vector.load %arg3[%get3A_1263, %get3A_1264, %get3A_1265] : memref<60x60x60xf32, #tpu.memory_space<vmem>>, vector<1x60x60xf32>
      %get3A_1267 = vector.shape_cast %get3A_1266 : vector<1x60x60xf32> to vector<60x60xf32>
      %dot_general3A_1268 = arith.constant dense<0.000000e+00> : vector<60x256xf32>
      %dot_general3A_1269 = tpu.matmul %get3A_1267, %add3A_1252, %dot_general3A_1268 {dimension_numbers = #tpu.dot_dimension_numbers<[1], [0], [0], [1], [0, 0, 1, 1], [], []>, transpose_lhs_hint = false} : vector<60x60xf32>, vector<60x256xf32>, vector<60x256xf32> -> vector<60x256xf32>
      %add3A_1270 = arith.addf %scan3A_586, %dot_general3A_1269 : vector<60x256xf32>
      %add3A_1271 = arith.constant 1 : i32
      %add3A_1272 = arith.addi %mul3A_587, %add3A_1271 : i32
      %get3A_1273 = arith.index_cast %add3A_1272 : i32 to index
      %get3A_1274 = arith.constant 0 : index
      %get3A_1275 = arith.constant 0 : index
      %get3A_1276 = vector.load %arg3[%get3A_1273, %get3A_1274, %get3A_1275] : memref<60x60x60xf32, #tpu.memory_space<vmem>>, vector<1x60x60xf32>
      %get3A_1277 = vector.shape_cast %get3A_1276 : vector<1x60x60xf32> to vector<60x60xf32>
      %dot_general3A_1278 = arith.constant dense<0.000000e+00> : vector<60x256xf32>
      %dot_general3A_1279 = tpu.matmul %get3A_1277, %add3A_1262, %dot_general3A_1278 {dimension_numbers = #tpu.dot_dimension_numbers<[1], [0], [0], [1], [0, 0, 1, 1], [], []>, transpose_lhs_hint = false} : vector<60x60xf32>, vector<60x256xf32>, vector<60x256xf32> -> vector<60x256xf32>
      %add3A_1280 = arith.addf %add3A_1270, %dot_general3A_1279 : vector<60x256xf32>
      scf.yield %add3A_1280 : vector<60x256xf32>
    }
    %scan3A_581 = arith.constant 30 : i32
    %swap3A_582 = arith.constant 0 : index
    %swap3A_583 = arith.constant 0 : index
    %swap3A_584 = vector.load %arg5[%swap3A_582, %swap3A_583] : memref<60x256xf32, #tpu.memory_space<vmem>>, vector<60x256xf32>
    tpu.vector_store %arg5[%swap3A_582, %swap3A_583], %scan3A_580 {strides = array<i32>} : memref<60x256xf32, #tpu.memory_space<vmem>>, vector<60x256xf32>,
    return
  }
  func.func @transform_0(%arg0: i32) -> (i32, i32, i32) {
    %c0_i32 = arith.constant 0 : i32
    %c0_i32_0 = arith.constant 0 : i32
    %c0_i32_1 = arith.constant 0 : i32
    return %c0_i32, %arg0, %c0_i32_0 : i32, i32, i32
  }
  func.func @transform_1(%arg0: i32) -> (i32, i32) {
    %c0_i32 = arith.constant 0 : i32
    %c0_i32_0 = arith.constant 0 : i32
    return %arg0, %c0_i32 : i32, i32
  }
  func.func @transform_2(%arg0: i32) -> (i32, i32, i32) {
    %c0_i32 = arith.constant 0 : i32
    %c0_i32_0 = arith.constant 0 : i32
    %c0_i32_1 = arith.constant 0 : i32
    %c0_i32_2 = arith.constant 0 : i32
    return %c0_i32, %c0_i32_0, %c0_i32_1 : i32, i32, i32
  }
  func.func @transform_3(%arg0: i32) -> (i32, i32) {
    %c0_i32 = arith.constant 0 : i32
    %c0_i32_0 = arith.constant 0 : i32
    %c0_i32_1 = arith.constant 0 : i32
    return %c0_i32, %c0_i32_0 : i32, i32
  }
  func.func @transform_4(%arg0: i32) -> (i32, i32) {
    %c0_i32 = arith.constant 0 : i32
    %c0_i32_0 = arith.constant 0 : i32
    return %c0_i32, %arg0 : i32, i32
  }
}

</mosaic_0001>

<sc_bundles>
// kernel: kernel.7.cloned.1.call-start
scs
__scs_entry_jumppad:
0x0: {  	(pc) =	sbr.rel $0x88, $3  }
0x1: {  	(tag) =	ssettag $0x0;
	lr =	simm.s32 $0x1  }
0x2: {  	[smem:$0x3F8D] =	sst lr;
	_ =	strace $0xD0000000  }
0x3: {  	_ = 	snop  }
0x4: {  	_ = 	snop  }
0x5: {  	_ = 	snop  }
0x6: {  	_ = 	snop  }
0x7: {  	_ = 	snop  }
__scs_overlays_trampoline_lowered:
0x8: {  	[smem:$0x3F9C] =	sst s0  }
0x9: {  	[smem:$0x3F9D] =	sst s1  }
0xa: {  	[smem:$0x3F9E] =	sst s2  }
0xb: {  	[smem:$0x3F9F] =	sst s3  }
0xc: {  	[smem:$0x3FA0] =	sst s4  }
0xd: {  	[smem:$0x3FA1] =	sst s5  }
0xe: {  	[smem:$0x3FA2] =	sst s6  }
0xf: {  	[smem:$0x3FA3] =	sst s7  }
0x10: {  	[smem:$0x3FA4] =	sst s8  }
0x11: {  	[smem:$0x3FA5] =	sst s9;
	s0 =	simm.s32 @!p0 $0x0  }
0x12: {  	s1 =	sld [smem:$0x3F8B];
	s0 =	simm.s32 @p0 $0x1  }
0x13: {  	[smem:$0x3FA6] =	sst s0;
	s0 =	simm.s32 @!p1 $0x0  }
0x14: {  	s2 =	sld [smem:$0x3F8A];
	s0 =	simm.s32 @p1 $0x1  }
0x15: {  	[smem:$0x3FA7] =	sst s0;
	s0 =	simm.s32 @!p2 $0x0  }
0x16: {  	s3 =	sld [smem:$0x3FDB];
	s0 =	simm.s32 @p2 $0x1  }
0x17: {  	s4 =	simm.s32 $0x1BF5;
	[smem:$0x3FA9] =	sst s0  }
0x18: {  	s0 =	sld [smem:$0x3F8C];
	_ =	swait.ge [sflag:s4], $0x0  }
0x19: {  	s7 =	sld [smem:$0x3F8D]  }
0x1a: {  	s8 =	sadd.s32 $0xFFFFE003, lr  }
0x1b: {  	s9 =	sadd.s32 $0xFFFFFEF7, lr;
	s5 =	simm.s32 $0xFFFFFFFF;
	p2 =	slt.u32 s8, $0xFFFFF086  }
0x1c: {  	p1 =	slt.u32 s9, $0xF7A;
	s5 =	simm.s32 @!p2 $0x0  }
0x1d: {  	s5 =	simm.s32 @p1 $0x1;
	p0 =	seq.s32 s7, s2  }
0x1e: {  	s7 =	smul.u32 @!p0 $0xF7A, s2;
	p2 =	seq.s32 @!p0 s5, $0x0  }
0x1f: {  	s9 =	smul.u32 $0xF7A, s1;
	s8 =	simm.s32 @!p0 $0x1BF5;
	p2 =	por !p2, p0  }
0x20: {  	[sflag:s8] =	ssyncset.s32 @!p0 $0xFFFFF086;
	s6 =	sadd.s32 @!p0 s3, s7;
	s7 =	simm.s32 @!p0 $0x108  }
0x21: {  	s3 =	sadd.s32 s3, s9;
	s6 =	sadd.s32 @!p0 $0x88, s6;
	s7 =	simm.s32 @p2 $0x1082  }
0x22: {  	[simem:s7], [sflag:s8] =	dma.local @!p0 [hbm:s6], $0xF7A  }
0x23: {  	s9 =	sor.u32 $0xD0000000, s2;
	s6 =	simm.s32 $0x108;
	_ =	swait.ge @!p0 [sflag:s8], $0x0  }
0x24: {  	s3 =	sadd.s32 $0x88, s3;
	s6 =	simm.s32 @!p1 $0x1082;
	[sflag:s4] =	ssyncset.s32 $0xFFFFF086  }
0x25: {  	[simem:s6], [sflag:s4] =	dma.local [hbm:s3], $0xF7A  }
0x26: {  	[smem:$0x3F8D] =	sst s1;
	(tag) =	ssettag s2;
	_ =	strace s9  }
0x27: {  	s1 =	sld [smem:$0x3F9D]  }
0x28: {  	s2 =	sld [smem:$0x3F9E]  }
0x29: {  	s4 =	sld [smem:$0x3FA0]  }
0x2a: {  	p0 =	seq.s32 s5, $0x0;
	s5 =	sld [smem:$0x3FA1]  }
0x2b: {  	s6 =	sld [smem:$0x3FA2]  }
0x2c: {  	s7 =	sld [smem:$0x3FA3]  }
0x2d: {  	s3 =	simm.s32 $0x108;
	s8 =	sld [smem:$0x3FA4]  }
0x2e: {  	s3 =	simm.s32 @!p0 $0x1082;
	s9 =	sld [smem:$0x3FA5]  }
0x2f: {  	lr =	sadd.s32 s0, s3;
	s0 =	sld [smem:$0x3F9C]  }
0x30: {  	s3 =	sld [smem:$0x3F9F]  }
0x31: {  	[smem:$0x3FA8] =	sst s10  }
0x32: {  	s10 =	sld [smem:$0x3FA6];
	_ =	sdelay $0x3  }
0x33: {  	p0 =	seq.s32 s10, $0x1;
	s10 =	sld [smem:$0x3FA8];
	_ =	sdelay $0x3  }
0x34: {  	[smem:$0x3FA8] =	sst s10  }
0x35: {  	s10 =	sld [smem:$0x3FA7];
	_ =	sdelay $0x3  }
0x36: {  	p1 =	seq.s32 s10, $0x1;
	s10 =	sld [smem:$0x3FA8];
	_ =	sdelay $0x3  }
0x37: {  	[smem:$0x3FA8] =	sst s10  }
0x38: {  	s10 =	sld [smem:$0x3FA9]  }
0x39: {  	_ = 	snop;
	(pc) =	sbr.ind lr, $3  }
0x3a: {  	_ = 	snop  }
0x3b: {  	_ = 	snop  }
0x3c: {  	p2 =	seq.s32 s10, $0x1;
	s10 =	sld [smem:$0x3FA8]  }
0x3d: {  	_ =	shalt  }
0x3e: {  	_ =	shalt  }
0x3f: {  	_ =	shalt  }
0x40: {  	_ =	shalt  }
0x41: {  	_ =	shalt  }
0x42: {  	_ =	shalt  }
0x43: {  	_ =	shalt  }
0x44: {  	_ =	shalt  }
0x45: {  	_ =	shalt  }
0x46: {  	_ =	shalt  }
0x47: {  	_ =	shalt  }
0x48: {  	_ =	shalt  }
0x49: {  	_ =	shalt  }
0x4a: {  	_ =	shalt  }
0x4b: {  	_ =	shalt  }
0x4c: {  	_ =	shalt  }
0x4d: {  	_ =	shalt  }
0x4e: {  	_ =	shalt  }
0x4f: {  	_ =	shalt  }
0x50: {  	_ =	shalt  }
0x51: {  	_ =	shalt  }
0x52: {  	_ =	shalt  }
0x53: {  	_ =	shalt  }
0x54: {  	_ =	shalt  }
0x55: {  	_ =	shalt  }
0x56: {  	_ =	shalt  }
0x57: {  	_ =	shalt  }
0x58: {  	_ =	shalt  }
0x59: {  	_ =	shalt  }
0x5a: {  	_ =	shalt  }
0x5b: {  	_ =	shalt  }
0x5c: {  	_ =	shalt  }
0x5d: {  	_ =	shalt  }
0x5e: {  	_ =	shalt  }
0x5f: {  	_ =	shalt  }
0x60: {  	_ =	shalt  }
0x61: {  	_ =	shalt  }
0x62: {  	_ =	shalt  }
0x63: {  	_ =	shalt  }
0x64: {  	_ =	shalt  }
0x65: {  	_ =	shalt  }
0x66: {  	_ =	shalt  }
0x67: {  	_ =	shalt  }
0x68: {  	_ =	shalt  }
0x69: {  	_ =	shalt  }
0x6a: {  	_ =	shalt  }
0x6b: {  	_ =	shalt  }
0x6c: {  	_ =	shalt  }
0x6d: {  	_ =	shalt  }
0x6e: {  	_ =	shalt  }
0x6f: {  	_ =	shalt  }
0x70: {  	_ =	shalt  }
0x71: {  	_ =	shalt  }
0x72: {  	_ =	shalt  }
0x73: {  	_ =	shalt  }
0x74: {  	_ =	shalt  }
0x75: {  	_ =	shalt  }
0x76: {  	_ =	shalt  }
0x77: {  	_ =	shalt  }
0x78: {  	_ =	shalt  }
0x79: {  	_ =	shalt  }
0x7a: {  	_ =	shalt  }
0x7b: {  	_ =	shalt  }
0x7c: {  	_ =	shalt  }
0x7d: {  	_ =	shalt  }
0x7e: {  	_ =	shalt  }
0x7f: {  	_ =	shalt  }
0x80: {  	_ =	shalt  }
0x81: {  	_ =	shalt  }
0x82: {  	_ =	shalt  }
0x83: {  	_ =	shalt  }
0x84: {  	_ =	shalt  }
0x85: {  	_ =	shalt  }
0x86: {  	_ =	shalt  }
0x87: {  	_ =	shalt  }
.Lfunc_end0:
.L_simem_size_0:
called_computation_lowered:
.L_overlay_start_0:
0x88: {  	s2 =	sld [smem:$0x3FD9]  }
0x89: {  	s3 =	sld [smem:$0x3FFE];
	_ =	sdelay $0x1  }
0x8a: {  	s1 =	srdreg.scid  }
0x8b: {  	s0 =	sand.u32 $0x1, s1  }
0x8c: {  	s14 =	sshll.u32 s0, $0xA;
	s2 =	sadd.s32 s3, s2  }
0x8d: {  	s2 =	sadd.s32 s2, s14  }
0x8e: {  	[smem:$0x3FB4] =	sst s2  }
0x8f: {  	_ = 	snop  }
0x90: {  	s2 =	sld [smem:$0x3FD0];
	_ =	sdelay $0x2  }
0x91: {  	s15 =	simm.s32 $0xA;
	s4 =	simm.s32 $0x10  }
0x92: {  	[smem:s4], [sflag:s15] =	dma.local [hbm:s2], $0x1  }
0x93: {  	_ =	swait.eq [sflag:s15], $0x1  }
0x94: {  	[sflag:s15] =	ssyncset.done $0x0  }
0x95: {  	[sflag:s15] =	ssyncadd.s32 $0xFFFFFFFF  }
0x96: {  	s16 =	sld [smem:$0x11];
	(tm) =	ssettm $0x1  }
0x97: {  	s17 =	sld [smem:$0x3FFB];
	_ =	sdelay $0x3  }
0x98: {  	_ =	strace s17  }
0x99: {  	s3 =	sld [smem:$0x3FFC];
	_ =	sdelay $0x3  }
0x9a: {  	_ =	strace s3  }
0x9b: {  	s3 =	sld [smem:$0x3FFD];
	_ =	sdelay $0x3  }
0x9c: {  	_ =	strace s3  }
0x9d: {  	_ =	strace $0x8FFFFFFF  }
0x9e: {  	s18 =	sld [smem:$0x3FDB];
	_ =	sdelay $0x1  }
0x9f: {  	s19 =	simm.s32 $_scs_section_size  }
0xa0: {  	s5 =	simm.s32 $_size__tile_overlayer_lowered;
	s6 =	simm.s32 $_tile_overlayer_lowered  }
0xa1: {  	s22 =	simm.s32 $0x1BFF;
	s21 =	sshll.u32 s6, $0x1;
	s3 =	sadd.s32 s19, s18  }
0xa2: {  	s7 =	simm.s32 $0x0;
	s20 =	sshll.u32 s5, $0x1;
	s5 =	sadd.s32 s21, s3  }
0xa3: {  	[timem:s7], [sflag:s22] =	dma.local [hbm:s5], s20  }
0xa4: {  	_ =	swait.ge [sflag:s22], s20  }
0xa5: {  	s4 =	ssub.s32 $0x0, s20;
	[sflag:s22] =	ssyncset.done $0x0  }
0xa6: {  	[sflag:s22] =	ssyncadd.s32 s4;
	_ =	sdelay $0x1  }
0xa7: {  	s23 =	simm.s32 $0x1B8B  }
0xa8: {  	_ =	swait.ge [sflag:s23], $0x1  }
0xa9: {  	[sflag:s23] =	ssyncset.done $0x0  }
0xaa: {  	s25 =	simm.s32 $0x1B8E;
	s24 =	sld [smem:$0x3FFE];
	[sflag:s23] =	ssyncadd.s32 $0xFFFFFFFF  }
0xab: {  	s26 =	simm.s32 $execute0_lowered;
	[smem:$0x3FD2] =	sst s25  }
0xac: {  	s5 =	sshll.u32 s26, $0x1;
	_ =	strace $0x80000046;
	[dreg:$0x1] =	wrdreg $0xFFFFFFFF  }
0xad: {  	s28 =	simm.s32 $_size_execute0_lowered;
	s3 =	sadd.s32 s3, s5;
	[dreg:$0x0] =	wrdreg $0x0  }
0xae: {  	s5 =	sshll.u32 s28, $0x1;
	[dreg:$0x2] =	wrdreg s3  }
0xaf: {  	[dreg:$0x3] =	wrdreg s5  }
0xb0: {  	[dreg:$0x4] =	wrdreg $0xC0  }
0xb1: {  	_ =	task [dreg:s7], $0x5FFFF  }
0xb2: {  	[dreg:$0x1] =	wrdreg $0xFFFFFFFF  }
0xb3: {  	[dreg:$0x0] =	wrdreg $0x60  }
0xb4: {  	[dreg:$0x2] =	wrdreg s24  }
0xb5: {  	[dreg:$0x3] =	wrdreg s16  }
0xb6: {  	[dreg:$0x4] =	wrdreg $0x9  }
0xb7: {  	_ =	task.clear_ibuf [dreg:s7], $0x5FFFF;
	_ =	strace $0x90000046  }
0xb8: {  	s29 =	simm.s32 $0x9;
	_ =	strace $0x80000048  }
0xb9: {  	_ =	swait.ge [sflag:s29], $0x1  }
0xba: {  	[sflag:s29] =	ssyncadd.s32 $0xFFFFFFFF  }
0xbb: {  	_ =	strace $0x90000048  }
0xbc: {  	_ =	sfence  }
0xbd: {  	s30 =	sld [smem:$0x0];
	_ =	sdelay $0x2  }
0xbe: {  	s31 =	sshll.u32 s1, $0xD;
	s1 =	sshrl.u32 s1, $0x2  }
0xbf: {  	s3 =	sand.u32 $0x4000, s31;
	s1 =	sadd.s32 s1, s30  }
0xc0: {  	s0 =	sor.u32 s3, s0;
	s1 =	sshll.u32 s1, $0x11  }
0xc1: {  	s0 =	sor.u32 s1, s0  }
0xc2: {  	s0 =	sadd.s32 $0x8F2B, s0  }
0xc3: {  	[sflag:s0] =	ssyncadd.remote.s32 $0x1  }
0xc4: {  	_ =	sfence.sel $0xFFFF  }
0xc5: {  	[dreg:$0x0] =	wrdreg $0xFFFFFFFF;
	(pc) =	sbr.abs _section_cstart, $3  }
0xc6: {  	[dreg:$0x1] =	wrdreg $0xFFFFFFFF  }
0xc7: {  	_ =	task.clear_ibuf [dreg:s7], $0x2FFFF;
	_ =	strace $0x9FFFFFFF  }
0xc8: {  	(tm) =	ssettm $0x7FFFFFFF  }
0xc9: {  	_ =	shalt  }
tec
execute0_lowered:
.L_overlay_start_1:
0x0: {  	(tag) =	ssettag $0x1  }
0x1: {  	s1 =	srdreg.scid  }
0x2: {  	s0 =	stileid.u32;
	s4 =	sand.u32 $0x1, s1  }
0x3: {  	s5 =	rddreg [dreg:$0x1];
	s2 =	sshll.u32 s0, $0x4;
	s3 =	sshll.u32 s4, $0x3  }
0x4: {  	s1 =	rddreg [dreg:$0x0];
	s3 =	sor.u32 s3, s2;
	s2 =	simm.s32 $0x0  }
0x5: {  	s6 =	smul.u32 $0x780, s3;
	[smem:$0x7FF] =	sst s2;
	s3 =	sadd.s32 s5, s3  }
0x6: {  	s8 =	simm.s32 $0x880;
	_ =	strace $0x80000047;
	[dreg:$0x3] =	wrdreg s3  }
0x7: {  	s9 =	simm.s32 $0x1080;
	[dreg:$0x5] =	wrdreg s8  }
0x8: {  	s10 =	simm.s32 $0x1880;
	[dreg:$0x6] =	wrdreg s9  }
0x9: {  	s11 =	simm.s32 $0x2080;
	[dreg:$0x7] =	wrdreg s10  }
0xa: {  	s12 =	simm.s32 $0x2880;
	[dreg:$0x8] =	wrdreg s11  }
0xb: {  	s13 =	simm.s32 $0x3080;
	[dreg:$0x9] =	wrdreg s12  }
0xc: {  	s14 =	simm.s32 $0x3880;
	[dreg:$0xa] =	wrdreg s13  }
0xd: {  	s15 =	simm.s32 $0x3C80;
	[dreg:$0xb] =	wrdreg s14  }
0xe: {  	s16 =	simm.s32 $0x4480;
	[dreg:$0xc] =	wrdreg s15  }
0xf: {  	s17 =	simm.s32 $0x4C80;
	[dreg:$0xd] =	wrdreg s16  }
0x10: {  	s18 =	simm.s32 $0x5480;
	[dreg:$0xe] =	wrdreg s17  }
0x11: {  	s19 =	simm.s32 $0x5C80;
	[dreg:$0xf] =	wrdreg s18  }
0x12: {  	s20 =	simm.s32 $0x6480;
	[dreg:$0x10] =	wrdreg s19  }
0x13: {  	s21 =	simm.s32 $0x6C80;
	[dreg:$0x11] =	wrdreg s20  }
0x14: {  	s22 =	simm.s32 $0x7480;
	[dreg:$0x12] =	wrdreg s21  }
0x15: {  	s23 =	simm.s32 $0x7880;
	[dreg:$0x13] =	wrdreg s22  }
0x16: {  	s24 =	simm.s32 $0x8080;
	[dreg:$0x14] =	wrdreg s23  }
0x17: {  	s25 =	simm.s32 $0x8880;
	[dreg:$0x15] =	wrdreg s24  }
0x18: {  	s26 =	simm.s32 $0x9080;
	[dreg:$0x16] =	wrdreg s25  }
0x19: {  	s0 =	simm.s32 $0x9880;
	[dreg:$0x17] =	wrdreg s26  }
0x1a: {  	s5 =	simm.s32 $0xA080;
	[dreg:$0x18] =	wrdreg s0  }
0x1b: {  	[dreg:$0x19] =	wrdreg s5;
	s8 =	simm.s32 $0xB480  }
0x1c: {  	s9 =	simm.s32 $0xBC80;
	[dreg:$0x1c] =	wrdreg s8  }
0x1d: {  	s10 =	simm.s32 $0xC480;
	[dreg:$0x1d] =	wrdreg s9  }
0x1e: {  	s11 =	simm.s32 $0xCC80;
	[dreg:$0x1e] =	wrdreg s10  }
0x1f: {  	s12 =	simm.s32 $0xD480;
	[dreg:$0x1f] =	wrdreg s11  }
0x20: {  	s28 =	simm.s32 $0x1C480;
	s13 =	simm.s32 $0xDC80;
	[smem:$0x7EB] =	sst s12  }
0x21: {  	s29 =	simm.s32 $0x1CC80;
	s14 =	simm.s32 $0xE480;
	[smem:$0x7EC] =	sst s13  }
0x22: {  	s30 =	simm.s32 $0x1D480;
	s15 =	simm.s32 $0xEC80;
	[smem:$0x7ED] =	sst s14  }
0x23: {  	s31 =	simm.s32 $0x1DC80;
	s16 =	simm.s32 $0xF080;
	[smem:$0x7EE] =	sst s15  }
0x24: {  	s4 =	ssub.s32 $0x2, s4;
	s17 =	simm.s32 $0xF880;
	[smem:$0x7EF] =	sst s16  }
0x25: {  	s18 =	simm.s32 $0x10080;
	s3 =	sadd.s32 $0x103600, s1;
	[smem:$0x7F0] =	sst s17  }
0x26: {  	s19 =	simm.s32 $0x10880;
	s20 =	simm.s32 $0x11080;
	[smem:$0x7F1] =	sst s18  }
0x27: {  	s21 =	sshrl.u32 s4, $0x1;
	s22 =	simm.s32 $0x11880;
	[smem:$0x7F2] =	sst s19  }
0x28: {  	s23 =	simm.s32 $0x12080;
	s24 =	simm.s32 $0x12880;
	[smem:$0x7F3] =	sst s20  }
0x29: {  	s5 =	sadd.s32 $0x103800, s1;
	s25 =	simm.s32 $0x15480;
	[smem:$0x7F4] =	sst s22  }
0x2a: {  	s26 =	simm.s32 $0x15C80;
	s6 =	sadd.s32 s6, s1;
	[smem:$0x7F5] =	sst s23  }
0x2b: {  	s11 =	ssub.s32 s4, s21;
	s4 =	sadd.s32 $0x103700, s1;
	[smem:$0x7F6] =	sst s24  }
0x2c: {  	s8 =	simm.s32 $0x13480;
	s9 =	simm.s32 $0x13C80;
	s10 =	simm.s32 $0x14480  }
0x2d: {  	s12 =	simm.s32 $0x14C80;
	[smem:$0x7FC] =	sst s25;
	s13 =	simm.s32 $0x80  }
0x2e: {  	[smem:$0x7FD] =	sst s26;
	s15 =	simm.s32 $0x16880;
	s16 =	simm.s32 $0x17080  }
0x2f: {  	s17 =	simm.s32 $0x17880;
	s18 =	simm.s32 $0x18080;
	s19 =	simm.s32 $0x18880  }
0x30: {  	s20 =	simm.s32 $0x19080;
	s21 =	simm.s32 $0x19880;
	s22 =	simm.s32 $0x1A080  }
0x31: {  	s23 =	simm.s32 $0x1A480;
	s24 =	simm.s32 $0x1AC80;
	[smem:$0x7F8] =	sst s8  }
0x32: {  	s25 =	simm.s32 $0x1B480;
	s26 =	simm.s32 $0x1BC80;
	[smem:$0x7F9] =	sst s9  }
0x33: {  	s7 =	sadd.s32 $0x3600, s6;
	s8 =	sadd.s32 $0x103B00, s1;
	[smem:$0x7FA] =	sst s10  }
0x34: {  	s6 =	simm.s32 $0xA880;
	s9 =	sadd.s32 $0x103C00, s1;
	[smem:$0x7FB] =	sst s12  }
0x35: {  	s10 =	sadd.s32 $0x103D00, s1;
	s11 =	smax.u32 s11, $0x1;
	[dreg:$0x4] =	wrdreg s7  }
0x36: {  	v2 =	vlaneseq.u32;
	s12 =	simm.s32 $0x2;
	[dreg:$0x1a] =	wrdreg s6;
	s7 =	simm.s32 $0xB080  }
0x37: {  	vm0 =	vmmov $0xffff;
	vm1 =	vmmov $0xff;
	v1 =	vshrl.u32 v2, $0x3;
	s6 =	sadd.s32 $0x103900, s1;
	[dreg:$0x1b] =	wrdreg s7;
	s7 =	simm.s32 $0x12C80  }
0x38: {  	v0 =	vand.u32 $0x7, v2;
	v2 =	vor.u32 $0x8, v2;
	v1 =	vmul.u32 $0x8, v1;
	[smem:$0x7F7] =	sst s7;
	s7 =	sadd.s32 $0x103A00, s1;
	s1 =	simm.s32 $0x1  }
.LBB2_1:
0x39: {  	s0 =	rddreg [dreg:$0x3]  }
0x3a: {  	[tilespmem:s2], [sflag:$0x2] =	stream.linear.gather [hbm4b:s0+s2], $0x40, $0x38;
	[tilespmem:$0x1E080] =	vst v63  }
0x3b: {  	_ =	swait.ge [sflag:s12], $0x40  }
0x3c: {  	[sflag:s12] =	ssyncset.done $0x0  }
0x3d: {  	[sflag:s12] =	ssyncadd.s32 $0xFFFFFFC0  }
0x3e: {  	v3 =	vld [tilespmem:$0x0];
	_ =	sdelay $0x4  }
0x3f: {  	v4 =	vshrl.u32 v3, $0x3  }
0x40: {  	v4 =	vmul.u32 $0x78, v4  }
0x41: {  	v3 =	vand.u32 $0x7, v3  }
0x42: {  	v3 =	vor.u32 v3, v4  }
0x43: {  	v4 =	vperm.xlane v3, v0;
	_ =	sdelay $0x1  }
0x44: {  	v4 =	vadd.s32 v1, v4;
	_ =	sdelay $0x4  }
0x45: {  	[tilespmem:s13], [sflag:$0x1] =	stream.indirect_vreg.gather [hbm4b:s3+s2], $0x80, v4, vm0, $0xb8;
	[tilespmem:$0x1E080] =	vst v63  }
0x46: {  	s0 =	rddreg [dreg:$0x5]  }
0x47: {  	[tilespmem:s0], [sflag:$0x1] =	stream.indirect_vreg.gather [hbm4b:s4+s2], $0x80, v4, vm0, $0xb8;
	[tilespmem:$0x1E080] =	vst v63  }
0x48: {  	s14 =	rddreg [dreg:$0x6]  }
0x49: {  	[tilespmem:s14], [sflag:$0x1] =	stream.indirect_vreg.gather [hbm4b:s5+s2], $0x80, v4, vm0, $0xb8;
	[tilespmem:$0x1E080] =	vst v63  }
0x4a: {  	s0 =	rddreg [dreg:$0x7]  }
0x4b: {  	[tilespmem:s0], [sflag:$0x1] =	stream.indirect_vreg.gather [hbm4b:s6+s2], $0x80, v4, vm0, $0xb8;
	[tilespmem:$0x1E080] =	vst v63  }
0x4c: {  	s14 =	rddreg [dreg:$0x8]  }
0x4d: {  	[tilespmem:s14], [sflag:$0x1] =	stream.indirect_vreg.gather [hbm4b:s7+s2], $0x80, v4, vm0, $0xb8;
	[tilespmem:$0x1E080] =	vst v63  }
0x4e: {  	v3 =	vperm.xlane v3, v2;
	s0 =	rddreg [dreg:$0x9]  }
0x4f: {  	[tilespmem:s0], [sflag:$0x1] =	stream.indirect_vreg.gather [hbm4b:s8+s2], $0x80, v4, vm0, $0xb8;
	[tilespmem:$0x1E080] =	vst v63  }
0x50: {  	v3 =	vadd.s32 v1, v3;
	s14 =	rddreg [dreg:$0xa]  }
0x51: {  	[tilespmem:s14], [sflag:$0x1] =	stream.indirect_vreg.gather [hbm4b:s9+s2], $0x80, v4, vm0, $0xb8;
	[tilespmem:$0x1E080] =	vst v63  }
0x52: {  	s0 =	rddreg [dreg:$0xb]  }
0x53: {  	[tilespmem:s0], [sflag:$0x1] =	stream.indirect_vreg.gather [hbm4b:s10+s2], $0x80, v4, vm1, $0xb8;
	[tilespmem:$0x1E080] =	vst v63  }
0x54: {  	s14 =	rddreg [dreg:$0xc]  }
0x55: {  	[tilespmem:s14], [sflag:$0x1] =	stream.indirect_vreg.gather [hbm4b:s3+s2], $0x80, v3, vm0, $0xb8;
	[tilespmem:$0x1E080] =	vst v63  }
0x56: {  	s0 =	rddreg [dreg:$0xd]  }
0x57: {  	[tilespmem:s0], [sflag:$0x1] =	stream.indirect_vreg.gather [hbm4b:s4+s2], $0x80, v3, vm0, $0xb8;
	[tilespmem:$0x1E080] =	vst v63  }
0x58: {  	s14 =	rddreg [dreg:$0xe]  }
0x59: {  	[tilespmem:s14], [sflag:$0x1] =	stream.indirect_vreg.gather [hbm4b:s5+s2], $0x80, v3, vm0, $0xb8;
	[tilespmem:$0x1E080] =	vst v63  }
0x5a: {  	s0 =	rddreg [dreg:$0xf]  }
0x5b: {  	[tilespmem:s0], [sflag:$0x1] =	stream.indirect_vreg.gather [hbm4b:s6+s2], $0x80, v3, vm0, $0xb8;
	[tilespmem:$0x1E080] =	vst v63  }
0x5c: {  	s14 =	rddreg [dreg:$0x10]  }
0x5d: {  	[tilespmem:s14], [sflag:$0x1] =	stream.indirect_vreg.gather [hbm4b:s7+s2], $0x80, v3, vm0, $0xb8;
	[tilespmem:$0x1E080] =	vst v63  }
0x5e: {  	s0 =	rddreg [dreg:$0x11]  }
0x5f: {  	[tilespmem:s0], [sflag:$0x1] =	stream.indirect_vreg.gather [hbm4b:s8+s2], $0x80, v3, vm0, $0xb8;
	[tilespmem:$0x1E080] =	vst v63  }
0x60: {  	s14 =	rddreg [dreg:$0x12]  }
0x61: {  	[tilespmem:s14], [sflag:$0x1] =	stream.indirect_vreg.gather [hbm4b:s9+s2], $0x80, v3, vm0, $0xb8;
	[tilespmem:$0x1E080] =	vst v63  }
0x62: {  	s0 =	rddreg [dreg:$0x13]  }
0x63: {  	[tilespmem:s0], [sflag:$0x1] =	stream.indirect_vreg.gather [hbm4b:s10+s2], $0x80, v3, vm1, $0xb8;
	[tilespmem:$0x1E080] =	vst v63  }
0x64: {  	v3 =	vld [tilespmem:$0x10];
	_ =	sdelay $0x4  }
0x65: {  	v61 =	vshrl.u32 v3, $0x3  }
0x66: {  	v4 =	vmul.u32 $0x78, v61  }
0x67: {  	v3 =	vand.u32 $0x7, v3  }
0x68: {  	v3 =	vor.u32 v3, v4  }
0x69: {  	v4 =	vperm.xlane v3, v0;
	_ =	sdelay $0x1  }
0x6a: {  	v4 =	vadd.s32 v1, v4;
	_ =	sdelay $0x2  }
0x6b: {  	s14 =	rddreg [dreg:$0x15]  }
0x6c: {  	s0 =	rddreg [dreg:$0x14]  }
0x6d: {  	[tilespmem:s0], [sflag:$0x1] =	stream.indirect_vreg.gather [hbm4b:s3+s2], $0x80, v4, vm0, $0xb8;
	[tilespmem:$0x1E080] =	vst v63  }
0x6e: {  	s0 =	rddreg [dreg:$0x16]  }
0x6f: {  	[tilespmem:s14], [sflag:$0x1] =	stream.indirect_vreg.gather [hbm4b:s4+s2], $0x80, v4, vm0, $0xb8;
	[tilespmem:$0x1E080] =	vst v63  }
0x70: {  	s14 =	rddreg [dreg:$0x17]  }
0x71: {  	[tilespmem:s0], [sflag:$0x1] =	stream.indirect_vreg.gather [hbm4b:s5+s2], $0x80, v4, vm0, $0xb8;
	[tilespmem:$0x1E080] =	vst v63  }
0x72: {  	s0 =	rddreg [dreg:$0x18]  }
0x73: {  	[tilespmem:s14], [sflag:$0x1] =	stream.indirect_vreg.gather [hbm4b:s6+s2], $0x80, v4, vm0, $0xb8;
	[tilespmem:$0x1E080] =	vst v63  }
0x74: {  	s14 =	rddreg [dreg:$0x19]  }
0x75: {  	[tilespmem:s0], [sflag:$0x1] =	stream.indirect_vreg.gather [hbm4b:s7+s2], $0x80, v4, vm0, $0xb8;
	[tilespmem:$0x1E080] =	vst v63  }
0x76: {  	v3 =	vperm.xlane v3, v2;
	s0 =	rddreg [dreg:$0x1a]  }
0x77: {  	[tilespmem:s14], [sflag:$0x1] =	stream.indirect_vreg.gather [hbm4b:s8+s2], $0x80, v4, vm0, $0xb8;
	[tilespmem:$0x1E080] =	vst v63  }
0x78: {  	v3 =	vadd.s32 v1, v3;
	s14 =	rddreg [dreg:$0x1b]  }
0x79: {  	[tilespmem:s0], [sflag:$0x1] =	stream.indirect_vreg.gather [hbm4b:s9+s2], $0x80, v4, vm0, $0xb8;
	[tilespmem:$0x1E080] =	vst v63  }
0x7a: {  	s0 =	rddreg [dreg:$0x1c]  }
0x7b: {  	[tilespmem:s14], [sflag:$0x1] =	stream.indirect_vreg.gather [hbm4b:s10+s2], $0x80, v4, vm1, $0xb8;
	[tilespmem:$0x1E080] =	vst v63  }
0x7c: {  	s14 =	rddreg [dreg:$0x1d]  }
0x7d: {  	[tilespmem:s0], [sflag:$0x1] =	stream.indirect_vreg.gather [hbm4b:s3+s2], $0x80, v3, vm0, $0xb8;
	[tilespmem:$0x1E080] =	vst v63  }
0x7e: {  	s0 =	rddreg [dreg:$0x1e]  }
0x7f: {  	[tilespmem:s14], [sflag:$0x1] =	stream.indirect_vreg.gather [hbm4b:s4+s2], $0x80, v3, vm0, $0xb8;
	[tilespmem:$0x1E080] =	vst v63  }
0x80: {  	s14 =	rddreg [dreg:$0x1f]  }
0x81: {  	[tilespmem:s0], [sflag:$0x1] =	stream.indirect_vreg.gather [hbm4b:s5+s2], $0x80, v3, vm0, $0xb8;
	[tilespmem:$0x1E080] =	vst v63  }
0x82: {  	s0 =	sld [smem:$0x7EB]  }
0x83: {  	[tilespmem:s14], [sflag:$0x1] =	stream.indirect_vreg.gather [hbm4b:s6+s2], $0x80, v3, vm0, $0xb8;
	[tilespmem:$0x1E080] =	vst v63  }
0x84: {  	s14 =	sld [smem:$0x7EC]  }
0x85: {  	[tilespmem:s0], [sflag:$0x1] =	stream.indirect_vreg.gather [hbm4b:s7+s2], $0x80, v3, vm0, $0xb8;
	[tilespmem:$0x1E080] =	vst v63  }
0x86: {  	s0 =	sld [smem:$0x7ED]  }
0x87: {  	[tilespmem:s14], [sflag:$0x1] =	stream.indirect_vreg.gather [hbm4b:s8+s2], $0x80, v3, vm0, $0xb8;
	[tilespmem:$0x1E080] =	vst v63  }
0x88: {  	s14 =	sld [smem:$0x7EE]  }
0x89: {  	[tilespmem:s0], [sflag:$0x1] =	stream.indirect_vreg.gather [hbm4b:s9+s2], $0x80, v3, vm0, $0xb8;
	[tilespmem:$0x1E080] =	vst v63  }
0x8a: {  	_ = 	snop  }
0x8b: {  	[tilespmem:s14], [sflag:$0x1] =	stream.indirect_vreg.gather [hbm4b:s10+s2], $0x80, v3, vm1, $0xb8;
	[tilespmem:$0x1E080] =	vst v63  }
0x8c: {  	v3 =	vld [tilespmem:$0x20];
	_ =	sdelay $0x4  }
0x8d: {  	v62 =	vshrl.u32 v3, $0x3  }
0x8e: {  	v4 =	vmul.u32 $0x78, v62  }
0x8f: {  	v3 =	vand.u32 $0x7, v3  }
0x90: {  	v3 =	vor.u32 v3, v4  }
0x91: {  	v4 =	vperm.xlane v3, v0;
	_ =	sdelay $0x1  }
0x92: {  	v4 =	vadd.s32 v1, v4;
	_ =	sdelay $0x1  }
0x93: {  	s0 =	sld [smem:$0x7EF];
	_ =	sdelay $0x1  }
0x94: {  	s14 =	sld [smem:$0x7F0]  }
0x95: {  	[tilespmem:s0], [sflag:$0x1] =	stream.indirect_vreg.gather [hbm4b:s3+s2], $0x80, v4, vm0, $0xb8;
	[tilespmem:$0x1E080] =	vst v63  }
0x96: {  	s0 =	sld [smem:$0x7F1]  }
0x97: {  	[tilespmem:s14], [sflag:$0x1] =	stream.indirect_vreg.gather [hbm4b:s4+s2], $0x80, v4, vm0, $0xb8;
	[tilespmem:$0x1E080] =	vst v63  }
0x98: {  	s14 =	sld [smem:$0x7F2]  }
0x99: {  	[tilespmem:s0], [sflag:$0x1] =	stream.indirect_vreg.gather [hbm4b:s5+s2], $0x80, v4, vm0, $0xb8;
	[tilespmem:$0x1E080] =	vst v63  }
0x9a: {  	s0 =	sld [smem:$0x7F3]  }
0x9b: {  	[tilespmem:s14], [sflag:$0x1] =	stream.indirect_vreg.gather [hbm4b:s6+s2], $0x80, v4, vm0, $0xb8;
	[tilespmem:$0x1E080] =	vst v63  }
0x9c: {  	s14 =	sld [smem:$0x7F4]  }
0x9d: {  	[tilespmem:s0], [sflag:$0x1] =	stream.indirect_vreg.gather [hbm4b:s7+s2], $0x80, v4, vm0, $0xb8;
	[tilespmem:$0x1E080] =	vst v63  }
0x9e: {  	v3 =	vperm.xlane v3, v2;
	s0 =	sld [smem:$0x7F5]  }
0x9f: {  	[tilespmem:s14], [sflag:$0x1] =	stream.indirect_vreg.gather [hbm4b:s8+s2], $0x80, v4, vm0, $0xb8;
	[tilespmem:$0x1E080] =	vst v63  }
0xa0: {  	v3 =	vadd.s32 v1, v3;
	s14 =	sld [smem:$0x7F6]  }
0xa1: {  	[tilespmem:s0], [sflag:$0x1] =	stream.indirect_vreg.gather [hbm4b:s9+s2], $0x80, v4, vm0, $0xb8;
	[tilespmem:$0x1E080] =	vst v63  }
0xa2: {  	s0 =	sld [smem:$0x7F7]  }
0xa3: {  	[tilespmem:s14], [sflag:$0x1] =	stream.indirect_vreg.gather [hbm4b:s10+s2], $0x80, v4, vm1, $0xb8;
	[tilespmem:$0x1E080] =	vst v63  }
0xa4: {  	s14 =	sld [smem:$0x7F8]  }
0xa5: {  	[tilespmem:s0], [sflag:$0x1] =	stream.indirect_vreg.gather [hbm4b:s3+s2], $0x80, v3, vm0, $0xb8;
	[tilespmem:$0x1E080] =	vst v63  }
0xa6: {  	s0 =	sld [smem:$0x7F9]  }
0xa7: {  	[tilespmem:s14], [sflag:$0x1] =	stream.indirect_vreg.gather [hbm4b:s4+s2], $0x80, v3, vm0, $0xb8;
	[tilespmem:$0x1E080] =	vst v63  }
0xa8: {  	s14 =	sld [smem:$0x7FA]  }
0xa9: {  	[tilespmem:s0], [sflag:$0x1] =	stream.indirect_vreg.gather [hbm4b:s5+s2], $0x80, v3, vm0, $0xb8;
	[tilespmem:$0x1E080] =	vst v63  }
0xaa: {  	s0 =	sld [smem:$0x7FB]  }
0xab: {  	[tilespmem:s14], [sflag:$0x1] =	stream.indirect_vreg.gather [hbm4b:s6+s2], $0x80, v3, vm0, $0xb8;
	[tilespmem:$0x1E080] =	vst v63  }
0xac: {  	s14 =	sld [smem:$0x7FC]  }
0xad: {  	[tilespmem:s0], [sflag:$0x1] =	stream.indirect_vreg.gather [hbm4b:s7+s2], $0x80, v3, vm0, $0xb8;
	[tilespmem:$0x1E080] =	vst v63  }
0xae: {  	s0 =	sld [smem:$0x7FD]  }
0xaf: {  	[tilespmem:s14], [sflag:$0x1] =	stream.indirect_vreg.gather [hbm4b:s8+s2], $0x80, v3, vm0, $0xb8;
	[tilespmem:$0x1E080] =	vst v63  }
0xb0: {  	_ = 	snop  }
0xb1: {  	[tilespmem:s0], [sflag:$0x1] =	stream.indirect_vreg.gather [hbm4b:s9+s2], $0x80, v3, vm0, $0xb8;
	[tilespmem:$0x1E080] =	vst v63  }
0xb2: {  	s14 =	simm.s32 $0x16480  }
0xb3: {  	[tilespmem:s14], [sflag:$0x1] =	stream.indirect_vreg.gather [hbm4b:s10+s2], $0x80, v3, vm1, $0xb8;
	[tilespmem:$0x1E080] =	vst v63  }
0xb4: {  	v3 =	vld [tilespmem:$0x30];
	_ =	sdelay $0x4  }
0xb5: {  	v63 =	vshrl.u32 v3, $0x3  }
0xb6: {  	v4 =	vmul.u32 $0x78, v63  }
0xb7: {  	v3 =	vand.u32 $0x7, v3  }
0xb8: {  	v3 =	vor.u32 v3, v4  }
0xb9: {  	v4 =	vperm.xlane v3, v0;
	_ =	sdelay $0x1  }
0xba: {  	v4 =	vadd.s32 v1, v4;
	_ =	sdelay $0x4  }
0xbb: {  	[tilespmem:s15], [sflag:$0x1] =	stream.indirect_vreg.gather [hbm4b:s3+s2], $0x80, v4, vm0, $0xb8;
	[tilespmem:$0x1E080] =	vst v63  }
0xbc: {  	_ = 	snop  }
0xbd: {  	[tilespmem:s16], [sflag:$0x1] =	stream.indirect_vreg.gather [hbm4b:s4+s2], $0x80, v4, vm0, $0xb8;
	[tilespmem:$0x1E080] =	vst v63  }
0xbe: {  	_ = 	snop  }
0xbf: {  	[tilespmem:s17], [sflag:$0x1] =	stream.indirect_vreg.gather [hbm4b:s5+s2], $0x80, v4, vm0, $0xb8;
	[tilespmem:$0x1E080] =	vst v63  }
0xc0: {  	_ = 	snop  }
0xc1: {  	[tilespmem:s18], [sflag:$0x1] =	stream.indirect_vreg.gather [hbm4b:s6+s2], $0x80, v4, vm0, $0xb8;
	[tilespmem:$0x1E080] =	vst v63  }
0xc2: {  	_ = 	snop  }
0xc3: {  	[tilespmem:s19], [sflag:$0x1] =	stream.indirect_vreg.gather [hbm4b:s7+s2], $0x80, v4, vm0, $0xb8;
	[tilespmem:$0x1E080] =	vst v63  }
0xc4: {  	v3 =	vperm.xlane v3, v2  }
0xc5: {  	[tilespmem:s20], [sflag:$0x1] =	stream.indirect_vreg.gather [hbm4b:s8+s2], $0x80, v4, vm0, $0xb8;
	[tilespmem:$0x1E080] =	vst v63  }
0xc6: {  	v3 =	vadd.s32 v1, v3  }
0xc7: {  	[tilespmem:s21], [sflag:$0x1] =	stream.indirect_vreg.gather [hbm4b:s9+s2], $0x80, v4, vm0, $0xb8;
	[tilespmem:$0x1E080] =	vst v63  }
0xc8: {  	_ = 	snop  }
0xc9: {  	[tilespmem:s22], [sflag:$0x1] =	stream.indirect_vreg.gather [hbm4b:s10+s2], $0x80, v4, vm1, $0xb8;
	[tilespmem:$0x1E080] =	vst v63  }
0xca: {  	_ = 	snop  }
0xcb: {  	[tilespmem:s23], [sflag:$0x1] =	stream.indirect_vreg.gather [hbm4b:s3+s2], $0x80, v3, vm0, $0xb8;
	[tilespmem:$0x1E080] =	vst v63  }
0xcc: {  	_ = 	snop  }
0xcd: {  	[tilespmem:s24], [sflag:$0x1] =	stream.indirect_vreg.gather [hbm4b:s4+s2], $0x80, v3, vm0, $0xb8;
	[tilespmem:$0x1E080] =	vst v63  }
0xce: {  	_ = 	snop  }
0xcf: {  	[tilespmem:s25], [sflag:$0x1] =	stream.indirect_vreg.gather [hbm4b:s5+s2], $0x80, v3, vm0, $0xb8;
	[tilespmem:$0x1E080] =	vst v63  }
0xd0: {  	_ = 	snop  }
0xd1: {  	[tilespmem:s26], [sflag:$0x1] =	stream.indirect_vreg.gather [hbm4b:s6+s2], $0x80, v3, vm0, $0xb8;
	[tilespmem:$0x1E080] =	vst v63  }
0xd2: {  	_ = 	snop  }
0xd3: {  	[tilespmem:s28], [sflag:$0x1] =	stream.indirect_vreg.gather [hbm4b:s7+s2], $0x80, v3, vm0, $0xb8;
	[tilespmem:$0x1E080] =	vst v63  }
0xd4: {  	_ = 	snop  }
0xd5: {  	[tilespmem:s29], [sflag:$0x1] =	stream.indirect_vreg.gather [hbm4b:s8+s2], $0x80, v3, vm0, $0xb8;
	[tilespmem:$0x1E080] =	vst v63  }
0xd6: {  	_ = 	snop  }
0xd7: {  	[tilespmem:s30], [sflag:$0x1] =	stream.indirect_vreg.gather [hbm4b:s9+s2], $0x80, v3, vm0, $0xb8;
	[tilespmem:$0x1E080] =	vst v63  }
0xd8: {  	_ = 	snop  }
0xd9: {  	[tilespmem:s31], [sflag:$0x1] =	stream.indirect_vreg.gather [hbm4b:s10+s2], $0x80, v3, vm1, $0xb8;
	[tilespmem:$0x1E080] =	vst v63  }
0xda: {  	_ =	swait.ge [sflag:s1], $0x1E000  }
0xdb: {  	p0 =	sne.s32 s11, $0x1;
	[sflag:s1] =	ssyncset.done $0x0  }
.Ltmp0:
0xdc: {  	s14 =	rddreg [dreg:$0x4];
	[sflag:s1] =	ssyncadd.s32 $0xFFFE2000;
	(pc) =	sbr.rel @p0 .LBB2_1-.Ltmp0, $4  }
0xdd: {  	[hbm4b:s14+s2] =	stream.linear.scatter [tilespmem:s13], [sflag:$0x2], $0x1E000, $0x38;
	[tilespmem:$0x1E080] =	vst v63  }
0xde: {  	_ =	swait.ge [sflag:s12], $0x1E000  }
0xdf: {  	[sflag:s12] =	ssyncset.done $0x0  }
0xe0: {  	s11 =	sadd.s32 $0xFFFFFFFF, s11;
	[sflag:s12] =	ssyncadd.s32 $0xFFFE2000  }
0xe1: {  	_ =	sfence.sel $0x180000  }
0xe2: {  	[bflag:$0x0] =	sbarrier.arrive $0xFFFF  }
0xe3: {  	_ =	strace $0x90000047  }
0xe4: {  	s0 =	stileid.u32;
	[bflag:$0x2] =	sbarrier.arrive $0xFFFF  }
0xe5: {  	p0 =	sne.s32 s0, $0x0;
	s0 =	rddreg [dreg:$0x2]  }
0xe6: {  	s0 =	sadd.s32 @!p0 $0x100000, s0  }
0xe7: {  	[sflag:s0] =	ssyncadd.tile.s32 @!p0 $0x1;
	_ =	shalt  }
.Lfunc_end2:
_tile_overlayer_lowered:
.L_overlay_start_2:
0xe8: {  	(tag) =	ssettag $0x2  }
0xe9: {  	s0 =	rddreg [dreg:$0x0];
	s2 =	stileid.u32  }
0xea: {  	s1 =	rddreg [dreg:$0x1];
	p0 =	sne.s32 s2, $0x0  }
0xeb: {  	s3 =	rddreg [dreg:$0x2];
	[bflag:$0x3] =	sbarrier.arrive $0xFFFF;
	s2 =	simm.s32 @!p0 $0x1C02  }
0xec: {  	[timem:s3], [sflag:s2] =	dma.local @!p0 [hbm:s0], s1  }
0xed: {  	s0 =	simm.s32 @!p0 $0x2  }
0xee: {  	_ =	swait.ge @!p0 [sflag:s0], s1  }
0xef: {  	s1 =	ssub.s32 @!p0 $0x0, s1;
	[sflag:s0] =	ssyncset.done @!p0 $0x0  }
0xf0: {  	[sflag:s0] =	ssyncadd.s32 @!p0 s1  }
0xf1: {  	[bflag:$0x3] =	sbarrier.arrive $0xFFFF  }
0xf2: {  	_ =	shalt  }

</sc_bundles>
